<compile_context>
chip_gen: v7x
topology: tpu7x:2x2x1
jax: 0.10.2.dev20260603
libtpu: 0.0.44.dev20260713+nightly
codegen_flags: <defaults>
</compile_context>

<pallas_src>
import dataclasses
import functools

import jax
import jax.numpy as jnp
from jax.experimental import pallas as pl
from jax.experimental.pallas import tpu as pltpu
from jax.experimental.pallas import tpu_sc as plsc

_NUM_ACT = 96
_SIZE = 51
_RANGE = 4.0
_GRID = 2.0 * _RANGE / (_SIZE - 1)
_INV_GRID = (_SIZE - 1) / (2.0 * _RANGE)
_SHIFT = float(_SIZE // 2)
_TMAX = float(_SIZE - 2)
_HALF_GRID = _GRID / 2.0

_RBLK = 64
_LANES = 16


def _spline_sc(x3, tab0, tab1, sg):
    nrow, h, w = x3.shape
    nch = sg.shape[0]
    tab_len = tab0.shape[0]
    mesh = plsc.VectorSubcoreMesh(
        core_axis_name="core", subcore_axis_name="subcore"
    )

    cp = pltpu.CompilerParams(use_tc_tiling_on_sc=True)
    if "needs_layout_passes" in pltpu.CompilerParams.__dataclass_fields__:
        cp = dataclasses.replace(cp, needs_layout_passes=False)

    @functools.partial(
        pl.kernel,
        mesh=mesh,
        out_type=jax.ShapeDtypeStruct(x3.shape, jnp.float32),
        scratch_types=[
            pltpu.VMEM((tab_len,), jnp.float32),
            pltpu.VMEM((tab_len,), jnp.float32),
            pltpu.VMEM((nch,), jnp.float32),
        ],
        compiler_params=cp,
    )
    def run(x_hbm, tab0_hbm, tab1_hbm, sg_hbm, out_hbm, tab0_v, tab1_v, sg_v):
        pltpu.sync_copy(tab0_hbm, tab0_v)
        pltpu.sync_copy(tab1_hbm, tab1_v)
        pltpu.sync_copy(sg_hbm, sg_v)

        def body(idxs, x_vmem, out_vmem):
            ch = jax.lax.rem(idxs[0], nch)
            chv = jnp.full((_LANES,), ch, jnp.int32)
            sgv = plsc.load_gather(sg_v, [chv])
            basev = chv * _SIZE

            @plsc.parallel_loop(0, _RBLK // 8, 1)
            def _(rt):
                @plsc.parallel_loop(0, w, _LANES, unroll=2)
                def _(c0):
                    for rr in range(8):
                        r = rt * 8 + rr
                        v = x_vmem[0, r, pl.ds(c0, _LANES)]
                        tt = v * sgv + _SHIFT
                        tc = jnp.minimum(jnp.maximum(tt, 0.0), _TMAX)
                        fi = tc.astype(jnp.int32)
                        frac = tt - fi.astype(jnp.float32)
                        idx = basev + fi
                        g0 = plsc.load_gather(tab0_v, [idx])
                        d = plsc.load_gather(tab1_v, [idx])
                        out_vmem[0, r, pl.ds(c0, _LANES)] = g0 + frac * d

        pltpu.emit_pipeline(
            body,
            grid=(nrow, h // _RBLK),
            in_specs=[pl.BlockSpec((1, _RBLK, w), lambda i, j: (i, j, 0))],
            out_specs=[pl.BlockSpec((1, _RBLK, w), lambda i, j: (i, j, 0))],
            core_axis_name=("core", "subcore"),
            dimension_semantics=(pltpu.PARALLEL, pltpu.PARALLEL),
            _explicit_indices=True,
        )(x_hbm, out_hbm)

    return run(x3, tab0, tab1, sg)


def kernel(x, coefficients_vect, scaling_coeffs_vect):
    b, c, h, w = x.shape
    x3 = x.reshape(b * c, h, w)

    s = scaling_coeffs_vect.reshape(c)
    tabf = (
        (coefficients_vect.reshape(c, _SIZE) - jnp.float32(_HALF_GRID))
        / s[:, None]
    ).reshape(-1)
    tab1f = jnp.concatenate([tabf[1:] - tabf[:-1], jnp.zeros((1,), jnp.float32)])
    sg = s * jnp.float32(_INV_GRID)

    out3 = _spline_sc(x3, tabf, tab1f, sg)
    return out3.reshape(x.shape)

# --- scband reference (transcript-rebuilt; emitter-appended) ---
"""Pipeline reference for scband-linear-spline-61057255080647 (READ-ONLY COPY).

The authoritative reference and input builder live on the scoring server;
editing this copy changes nothing except your own understanding.
"""

import jax, jax.numpy as jnp
import numpy as np

NUM_ACT = 96
SIZE = 51
RANGE = 4.0

def setup_inputs(seed: int = 0):
    key = jax.random.key(seed)
    x = jax.random.normal(key, (4, 96, 384, 384), dtype=jnp.float32)
    grid_tensor = jnp.broadcast_to(jnp.linspace(-RANGE, RANGE, SIZE, dtype=jnp.float32), (NUM_ACT, SIZE))
    coefficients_vect = jax.nn.relu(grid_tensor).reshape(-1)
    scaling_coeffs_vect = jnp.ones((1, NUM_ACT, 1, 1), dtype=jnp.float32)
    return {"x": x, "coefficients_vect": coefficients_vect, "scaling_coeffs_vect": scaling_coeffs_vect}

def reference(x, coefficients_vect, scaling_coeffs_vect):
    grid = 2.0 * RANGE / (SIZE - 1)  # 0.16
    zero_knot_indexes = jnp.arange(NUM_ACT, dtype=jnp.int32) * SIZE + SIZE // 2
    xs = x * scaling_coeffs_vect
    # size=51 is odd -> even=False, no +grid/2 shift on input
    x_clamped = jnp.clip(xs, -RANGE, RANGE - grid)
    floored_x = jnp.floor(x_clamped / grid)
    fracs = xs / grid - floored_x
    indexes = (zero_knot_indexes.reshape(1, -1, 1, 1).astype(jnp.float32) + floored_x).astype(jnp.int32)
    out = jnp.take(coefficients_vect, indexes + 1) * fracs + jnp.take(coefficients_vect, indexes) * (1.0 - fracs)
    out = out - grid / 2.0
    return out / scaling_coeffs_vect

if __name__ == "__main__":
    import jax
    _d = setup_inputs()
    print(jax.jit(kernel)(*tuple(_d.values())))

</pallas_src>

<mosaic_0001>
#map = affine_map<(d0, d1) -> (0, 0, 0)>
#map1 = affine_map<(d0, d1) -> (0)>
module attributes {stable_mosaic.version = 14 : i64} {
  func.func @run(%arg0: i32, %arg1: i32, %arg2: memref<384x384x384xf32, #tpu.memory_space<hbm>>, %arg3: memref<4896xf32, #tpu.memory_space<hbm>>, %arg4: memref<4896xf32, #tpu.memory_space<hbm>>, %arg5: memref<96xf32, #tpu.memory_space<hbm>>, %arg6: memref<384x384x384xf32, #tpu.memory_space<hbm>>, %arg7: memref<4896xf32, #tpu.memory_space<vmem>>, %arg8: memref<4896xf32, #tpu.memory_space<vmem>>, %arg9: memref<96xf32, #tpu.memory_space<vmem>>) attributes {dimension_semantics = [#tpu.dimension_semantics<core_parallel>, #tpu.dimension_semantics<subcore_parallel>], iteration_bounds = array<i64: 2, 16>, scalar_prefetch = 0 : i64, scratch_operands = 3 : i64, tpu.core_type = #tpu.core_type<sc_vector_subcore>, window_params = [{transform_indices = #map}, {transform_indices = #map1}, {transform_indices = #map1}, {transform_indices = #map1}, {transform_indices = #map}]} {
    "tpu.region"() ({
      %run_scoped3A = tpu.sem_alloc : memref<!tpu.dma_semaphore, #tpu.memory_space<semaphore_mem>>
      tpu.enqueue_dma source(%arg3 : memref<4896xf32, #tpu.memory_space<hbm>>) target(%arg7 : memref<4896xf32, #tpu.memory_space<vmem>>) target_semaphore(%run_scoped3A : memref<!tpu.dma_semaphore, #tpu.memory_space<semaphore_mem>>)
      tpu.wait_dma2 semaphore(%run_scoped3A : memref<!tpu.dma_semaphore, #tpu.memory_space<semaphore_mem>>) src(%arg3 : memref<4896xf32, #tpu.memory_space<hbm>>) dst(%arg7 : memref<4896xf32, #tpu.memory_space<vmem>>)
      tpu.yield
    }) : () -> ()
    "tpu.region"() ({
      %run_scoped3A = tpu.sem_alloc : memref<!tpu.dma_semaphore, #tpu.memory_space<semaphore_mem>>
      tpu.enqueue_dma source(%arg4 : memref<4896xf32, #tpu.memory_space<hbm>>) target(%arg8 : memref<4896xf32, #tpu.memory_space<vmem>>) target_semaphore(%run_scoped3A : memref<!tpu.dma_semaphore, #tpu.memory_space<semaphore_mem>>)
      tpu.wait_dma2 semaphore(%run_scoped3A : memref<!tpu.dma_semaphore, #tpu.memory_space<semaphore_mem>>) src(%arg4 : memref<4896xf32, #tpu.memory_space<hbm>>) dst(%arg8 : memref<4896xf32, #tpu.memory_space<vmem>>)
      tpu.yield
    }) : () -> ()
    "tpu.region"() ({
      %run_scoped3A = tpu.sem_alloc : memref<!tpu.dma_semaphore, #tpu.memory_space<semaphore_mem>>
      tpu.enqueue_dma source(%arg5 : memref<96xf32, #tpu.memory_space<hbm>>) target(%arg9 : memref<96xf32, #tpu.memory_space<vmem>>) target_semaphore(%run_scoped3A : memref<!tpu.dma_semaphore, #tpu.memory_space<semaphore_mem>>)
      tpu.wait_dma2 semaphore(%run_scoped3A : memref<!tpu.dma_semaphore, #tpu.memory_space<semaphore_mem>>) src(%arg5 : memref<96xf32, #tpu.memory_space<hbm>>) dst(%arg9 : memref<96xf32, #tpu.memory_space<vmem>>)
      tpu.yield
    }) : () -> ()
    %mul3A = arith.constant 1 : i32
    %mul3A_0 = arith.muli %arg1, %mul3A : i32
    %add3A = arith.constant 0 : i32
    %add3A_1 = arith.addi %add3A, %mul3A_0 : i32
    %mul3A_2 = arith.constant 16 : i32
    %mul3A_3 = arith.muli %arg0, %mul3A_2 : i32
    %add3A_4 = arith.addi %add3A_1, %mul3A_3 : i32
    %mul3A_5 = arith.constant 12 : i32
    %mul3A_6 = arith.muli %add3A_4, %mul3A_5 : i32
    "tpu.region"() ({
      %run_scoped3A = memref.alloca() : memref<2x1x64x384xf32, #tpu.memory_space<vmem>>
      %run_scoped3A_7 = tpu.sem_alloc : memref<2x!tpu.dma_semaphore, #tpu.memory_space<semaphore_mem>>
      %run_scoped3A_8 = memref.alloca() : memref<2x1x64x384xf32, #tpu.memory_space<vmem>>
      %run_scoped3A_9 = tpu.sem_alloc : memref<2x!tpu.dma_semaphore, #tpu.memory_space<semaphore_mem>>
      %add3A_10 = arith.constant 0 : i32
      %add3A_11 = arith.addi %add3A_10, %mul3A_6 : i32
      %select_n3A = arith.constant true
      %select_n3A_12 = arith.constant 0 : i32
      %select_n3A_13 = arith.constant -1 : i32
      %select_n3A_14 = arith.select %select_n3A, %select_n3A_13, %select_n3A_12 : i32
      %eq3A = arith.constant -1 : i32
      %eq3A_15 = arith.cmpi eq, %select_n3A_14, %eq3A : i32
      %select_n3A_16 = arith.constant 5 : i32
      %select_n3A_17 = arith.select %eq3A_15, %select_n3A_16, %select_n3A_14 : i32
      %select_n3A_18 = arith.constant 0 : i32
      %select_n3A_19 = arith.constant -1 : i32
      %select_n3A_20 = arith.select %eq3A_15, %select_n3A_19, %select_n3A_18 : i32
      %eq3A_21 = arith.constant -1 : i32
      %eq3A_22 = arith.cmpi eq, %select_n3A_20, %eq3A_21 : i32
      %select_n3A_23 = arith.constant 11 : i32
      %select_n3A_24 = arith.select %eq3A_22, %select_n3A_23, %select_n3A_20 : i32
      %add3A_25 = arith.addi %select_n3A_24, %mul3A_6 : i32
      %add3A_26 = arith.constant 0 : i32
      %add3A_27 = arith.addi %select_n3A_17, %add3A_26 : i32
      %select_n3A_28 = arith.constant true
      %select_n3A_29 = arith.constant 0 : i32
      %select_n3A_30 = arith.constant 1 : i32
      %select_n3A_31 = arith.select %select_n3A_28, %select_n3A_30, %select_n3A_29 : i32
      %eq3A_32 = arith.constant 6 : i32
      %eq3A_33 = arith.cmpi eq, %select_n3A_31, %eq3A_32 : i32
      %select_n3A_34 = arith.constant 0 : i32
      %select_n3A_35 = arith.select %eq3A_33, %select_n3A_34, %select_n3A_31 : i32
      %select_n3A_36 = arith.constant 0 : i32
      %select_n3A_37 = arith.constant 1 : i32
      %select_n3A_38 = arith.select %eq3A_33, %select_n3A_37, %select_n3A_36 : i32
      %eq3A_39 = arith.constant 12 : i32
      %eq3A_40 = arith.cmpi eq, %select_n3A_38, %eq3A_39 : i32
      %select_n3A_41 = arith.constant 0 : i32
      %select_n3A_42 = arith.select %eq3A_40, %select_n3A_41, %select_n3A_38 : i32
      %add3A_43 = arith.addi %select_n3A_42, %mul3A_6 : i32
      %add3A_44 = arith.constant 0 : i32
      %add3A_45 = arith.addi %select_n3A_35, %add3A_44 : i32
      %add3A_46 = arith.constant 1 : i32
      %add3A_47 = arith.addi %select_n3A_35, %add3A_46 : i32
      %select_n3A_48 = arith.constant true
      %select_n3A_49 = arith.select %select_n3A_48, %add3A_47, %select_n3A_35 : i32
      %eq3A_50 = arith.constant 6 : i32
      %eq3A_51 = arith.cmpi eq, %select_n3A_49, %eq3A_50 : i32
      %select_n3A_52 = arith.constant 0 : i32
      %select_n3A_53 = arith.select %eq3A_51, %select_n3A_52, %select_n3A_49 : i32
      %add3A_54 = arith.constant 1 : i32
      %add3A_55 = arith.addi %select_n3A_42, %add3A_54 : i32
      %select_n3A_56 = arith.select %eq3A_51, %add3A_55, %select_n3A_42 : i32
      %eq3A_57 = arith.constant 12 : i32
      %eq3A_58 = arith.cmpi eq, %select_n3A_56, %eq3A_57 : i32
      %select_n3A_59 = arith.constant 0 : i32
      %select_n3A_60 = arith.select %eq3A_58, %select_n3A_59, %select_n3A_56 : i32
      %add3A_61 = arith.addi %select_n3A_60, %mul3A_6 : i32
      %add3A_62 = arith.constant 0 : i32
      %add3A_63 = arith.addi %select_n3A_53, %add3A_62 : i32
      "tpu.trace_start"() <{level = 10 : i32, message = "ep_initialize_0"}> : () -> ()
      %rem3A = arith.constant 0 : i32
      %rem3A_64 = arith.constant 2 : i32
      %rem3A_65 = arith.remui %rem3A, %rem3A_64 : i32
      %mul3A_66 = arith.constant 1 : i32
      %mul3A_67 = arith.muli %mul3A_66, %add3A_11 : i32
      %dma_start3A = arith.constant 0 : i32
      %dma_start3A_68 = arith.constant 0 : i32
      %dma_start3A_69 = arith.constant 0 : i32
      %dma_start3A_70 = tpu.memref_slice %run_scoped3A[%rem3A_65, %dma_start3A, %dma_start3A_68, %dma_start3A_69] : memref<2x1x64x384xf32, #tpu.memory_space<vmem>> -> memref<1x1x64x384xf32, #tpu.memory_space<vmem>>
      %dma_start3A_71 = tpu.memref_squeeze %dma_start3A_70 : memref<1x1x64x384xf32, #tpu.memory_space<vmem>> -> memref<1x64x384xf32, #tpu.memory_space<vmem>>
      %dma_start3A_72 = arith.constant 0 : i32
      %dma_start3A_73 = arith.constant 0 : i32
      %dma_start3A_74 = tpu.memref_slice %arg2[%mul3A_67, %dma_start3A_72, %dma_start3A_73] : memref<384x384x384xf32, #tpu.memory_space<hbm>> -> memref<1x64x384xf32, #tpu.memory_space<hbm>>
      %dma_start3A_75 = tpu.memref_slice %run_scoped3A_7[%rem3A_65] : memref<2x!tpu.dma_semaphore, #tpu.memory_space<semaphore_mem>> -> memref<1x!tpu.dma_semaphore, #tpu.memory_space<semaphore_mem>>
      %dma_start3A_76 = tpu.memref_squeeze %dma_start3A_75 : memref<1x!tpu.dma_semaphore, #tpu.memory_space<semaphore_mem>> -> memref<!tpu.dma_semaphore, #tpu.memory_space<semaphore_mem>>
      %dma_start3A_77 = arith.constant 0 : i32
      %dma_start3A_78 = arith.constant 0 : i32
      %dma_start3A_79 = arith.constant 0 : i32
      %dma_start3A_80 = tpu.memref_slice %run_scoped3A[%rem3A_65, %dma_start3A_77, %dma_start3A_78, %dma_start3A_79] : memref<2x1x64x384xf32, #tpu.memory_space<vmem>> -> memref<1x1x64x384xf32, #tpu.memory_space<vmem>>
      %dma_start3A_81 = tpu.memref_squeeze %dma_start3A_80 : memref<1x1x64x384xf32, #tpu.memory_space<vmem>> -> memref<1x64x384xf32, #tpu.memory_space<vmem>>
      %dma_start3A_82 = arith.constant 0 : i32
      %dma_start3A_83 = arith.constant 0 : i32
      %dma_start3A_84 = tpu.memref_slice %arg2[%mul3A_67, %dma_start3A_82, %dma_start3A_83] : memref<384x384x384xf32, #tpu.memory_space<hbm>> -> memref<1x64x384xf32, #tpu.memory_space<hbm>>
      tpu.enqueue_dma source(%dma_start3A_84 : memref<1x64x384xf32, #tpu.memory_space<hbm>>) target(%dma_start3A_81 : memref<1x64x384xf32, #tpu.memory_space<vmem>>) target_semaphore(%dma_start3A_76 : memref<!tpu.dma_semaphore, #tpu.memory_space<semaphore_mem>>)
      %add3A_85 = arith.constant 0 : i32
      %add3A_86 = arith.constant 1 : i32
      %add3A_87 = arith.addi %add3A_85, %add3A_86 : i32
      %select_n3A_88 = arith.constant true
      %select_n3A_89 = arith.constant 0 : i32
      %select_n3A_90 = arith.select %select_n3A_88, %add3A_87, %select_n3A_89 : i32
      "tpu.trace_stop"() : () -> ()
      %scan3A = arith.constant 0 : i32
      %scan3A_91 = arith.constant 0 : i32
      %scan3A_92 = arith.constant 0 : i32
      %scan3A_93 = arith.constant 0 : i32
      %scan3A_94 = arith.constant 0 : i32
      %scan3A_95 = arith.constant 0 : i32
      %scan3A_96 = arith.constant 72 : i32
      %scan3A_97 = arith.addi %scan3A_95, %scan3A_96 : i32
      %scan3A_98 = arith.constant 1 : i32
      %scan3A_99:6 = scf.for %scan3A_193 = %scan3A_95 to %scan3A_97 step %scan3A_98 iter_args(%scan3A_194 = %select_n3A_90, %scan3A_195 = %scan3A, %scan3A_196 = %scan3A_91, %scan3A_197 = %scan3A_92, %scan3A_198 = %scan3A_93, %scan3A_199 = %scan3A_94) -> (i32, i32, i32, i32, i32, i32)  : i32 {
        %eq3A_200 = arith.constant 0 : i32
        %eq3A_201 = arith.cmpi eq, %scan3A_193, %eq3A_200 : i32
        %eq3A_202 = arith.constant 71 : i32
        %eq3A_203 = arith.cmpi eq, %scan3A_193, %eq3A_202 : i32
        %add3A_204 = arith.addi %scan3A_198, %mul3A_6 : i32
        %add3A_205 = arith.constant 0 : i32
        %add3A_206 = arith.addi %scan3A_199, %add3A_205 : i32
        %sub3A_207 = arith.constant 1 : i32
        %sub3A_208 = arith.subi %scan3A_199, %sub3A_207 : i32
        %select_n3A_209 = arith.constant true
        %select_n3A_210 = arith.select %select_n3A_209, %sub3A_208, %scan3A_199 : i32
        %eq3A_211 = arith.constant -1 : i32
        %eq3A_212 = arith.cmpi eq, %select_n3A_210, %eq3A_211 : i32
        %select_n3A_213 = arith.constant 5 : i32
        %select_n3A_214 = arith.select %eq3A_212, %select_n3A_213, %select_n3A_210 : i32
        %sub3A_215 = arith.constant 1 : i32
        %sub3A_216 = arith.subi %scan3A_198, %sub3A_215 : i32
        %select_n3A_217 = arith.select %eq3A_212, %sub3A_216, %scan3A_198 : i32
        %eq3A_218 = arith.constant -1 : i32
        %eq3A_219 = arith.cmpi eq, %select_n3A_217, %eq3A_218 : i32
        %select_n3A_220 = arith.constant 11 : i32
        %select_n3A_221 = arith.select %eq3A_219, %select_n3A_220, %select_n3A_217 : i32
        %add3A_222 = arith.addi %select_n3A_221, %mul3A_6 : i32
        %add3A_223 = arith.constant 0 : i32
        %add3A_224 = arith.addi %select_n3A_214, %add3A_223 : i32
        %add3A_225 = arith.constant 1 : i32
        %add3A_226 = arith.addi %scan3A_199, %add3A_225 : i32
        %select_n3A_227 = arith.constant true
        %select_n3A_228 = arith.select %select_n3A_227, %add3A_226, %scan3A_199 : i32
        %eq3A_229 = arith.constant 6 : i32
        %eq3A_230 = arith.cmpi eq, %select_n3A_228, %eq3A_229 : i32
        %select_n3A_231 = arith.constant 0 : i32
        %select_n3A_232 = arith.select %eq3A_230, %select_n3A_231, %select_n3A_228 : i32
        %add3A_233 = arith.constant 1 : i32
        %add3A_234 = arith.addi %scan3A_198, %add3A_233 : i32
        %select_n3A_235 = arith.select %eq3A_230, %add3A_234, %scan3A_198 : i32
        %eq3A_236 = arith.constant 12 : i32
        %eq3A_237 = arith.cmpi eq, %select_n3A_235, %eq3A_236 : i32
        %select_n3A_238 = arith.constant 0 : i32
        %select_n3A_239 = arith.select %eq3A_237, %select_n3A_238, %select_n3A_235 : i32
        %add3A_240 = arith.addi %select_n3A_239, %mul3A_6 : i32
        %add3A_241 = arith.constant 0 : i32
        %add3A_242 = arith.addi %select_n3A_232, %add3A_241 : i32
        %add3A_243 = arith.constant 1 : i32
        %add3A_244 = arith.addi %select_n3A_232, %add3A_243 : i32
        %select_n3A_245 = arith.constant true
        %select_n3A_246 = arith.select %select_n3A_245, %add3A_244, %select_n3A_232 : i32
        %eq3A_247 = arith.constant 6 : i32
        %eq3A_248 = arith.cmpi eq, %select_n3A_246, %eq3A_247 : i32
        %select_n3A_249 = arith.constant 0 : i32
        %select_n3A_250 = arith.select %eq3A_248, %select_n3A_249, %select_n3A_246 : i32
        %add3A_251 = arith.constant 1 : i32
        %add3A_252 = arith.addi %select_n3A_239, %add3A_251 : i32
        %select_n3A_253 = arith.select %eq3A_248, %add3A_252, %select_n3A_239 : i32
        %eq3A_254 = arith.constant 12 : i32
        %eq3A_255 = arith.cmpi eq, %select_n3A_253, %eq3A_254 : i32
        %select_n3A_256 = arith.constant 0 : i32
        %select_n3A_257 = arith.select %eq3A_255, %select_n3A_256, %select_n3A_253 : i32
        %add3A_258 = arith.addi %select_n3A_257, %mul3A_6 : i32
        %add3A_259 = arith.constant 0 : i32
        %add3A_260 = arith.addi %select_n3A_250, %add3A_259 : i32
        %ne3A = arith.cmpi ne, %add3A_204, %add3A_240 : i32
        %ne3A_261 = arith.cmpi ne, %add3A_206, %add3A_242 : i32
        %or3A = arith.constant false
        %or3A_262 = arith.ori %or3A, %ne3A : i1
        %or3A_263 = arith.ori %or3A_262, %ne3A_261 : i1
        %or3A_264 = arith.constant false
        %or3A_265 = arith.ori %or3A_263, %or3A_264 : i1
        %ge3A = arith.constant 71 : i32
        %ge3A_266 = arith.cmpi sge, %scan3A_193, %ge3A : i32
        %not3A = arith.constant true
        %not3A_267 = arith.xori %ge3A_266, %not3A : i1
        %and3A = arith.andi %or3A_265, %not3A_267 : i1
        %convert_element_type3A = arith.extui %and3A : i1 to i32
        %cond3A = arith.constant 0 : i32
        %cond3A_268 = arith.cmpi ne, %convert_element_type3A, %cond3A : i32
        scf.if %cond3A_268 {
          "tpu.trace_start"() <{level = 10 : i32, message = "ep_copy_in"}> : () -> ()
          %rem3A_407 = arith.constant 2 : i32
          %rem3A_408 = arith.remui %scan3A_194, %rem3A_407 : i32
          %mul3A_409 = arith.constant 1 : i32
          %mul3A_410 = arith.muli %mul3A_409, %add3A_240 : i32
          %mul3A_411 = arith.constant 64 : i32
          %mul3A_412 = arith.muli %mul3A_411, %add3A_242 : i32
          %dma_start3A_413 = arith.constant 0 : i32
          %dma_start3A_414 = arith.constant 0 : i32
          %dma_start3A_415 = arith.constant 0 : i32
          %dma_start3A_416 = tpu.memref_slice %run_scoped3A[%rem3A_408, %dma_start3A_413, %dma_start3A_414, %dma_start3A_415] : memref<2x1x64x384xf32, #tpu.memory_space<vmem>> -> memref<1x1x64x384xf32, #tpu.memory_space<vmem>>
          %dma_start3A_417 = tpu.memref_squeeze %dma_start3A_416 : memref<1x1x64x384xf32, #tpu.memory_space<vmem>> -> memref<1x64x384xf32, #tpu.memory_space<vmem>>
          %dma_start3A_418 = arith.constant 0 : i32
          %dma_start3A_419 = tpu.memref_slice %arg2[%mul3A_410, %mul3A_412, %dma_start3A_418] : memref<384x384x384xf32, #tpu.memory_space<hbm>> -> memref<1x64x384xf32, #tpu.memory_space<hbm>>
          %dma_start3A_420 = tpu.memref_slice %run_scoped3A_7[%rem3A_408] : memref<2x!tpu.dma_semaphore, #tpu.memory_space<semaphore_mem>> -> memref<1x!tpu.dma_semaphore, #tpu.memory_space<semaphore_mem>>
          %dma_start3A_421 = tpu.memref_squeeze %dma_start3A_420 : memref<1x!tpu.dma_semaphore, #tpu.memory_space<semaphore_mem>> -> memref<!tpu.dma_semaphore, #tpu.memory_space<semaphore_mem>>
          %dma_start3A_422 = arith.constant 0 : i32
          %dma_start3A_423 = arith.constant 0 : i32
          %dma_start3A_424 = arith.constant 0 : i32
          %dma_start3A_425 = tpu.memref_slice %run_scoped3A[%rem3A_408, %dma_start3A_422, %dma_start3A_423, %dma_start3A_424] : memref<2x1x64x384xf32, #tpu.memory_space<vmem>> -> memref<1x1x64x384xf32, #tpu.memory_space<vmem>>
          %dma_start3A_426 = tpu.memref_squeeze %dma_start3A_425 : memref<1x1x64x384xf32, #tpu.memory_space<vmem>> -> memref<1x64x384xf32, #tpu.memory_space<vmem>>
          %dma_start3A_427 = arith.constant 0 : i32
          %dma_start3A_428 = tpu.memref_slice %arg2[%mul3A_410, %mul3A_412, %dma_start3A_427] : memref<384x384x384xf32, #tpu.memory_space<hbm>> -> memref<1x64x384xf32, #tpu.memory_space<hbm>>
          tpu.enqueue_dma source(%dma_start3A_428 : memref<1x64x384xf32, #tpu.memory_space<hbm>>) target(%dma_start3A_426 : memref<1x64x384xf32, #tpu.memory_space<vmem>>) target_semaphore(%dma_start3A_421 : memref<!tpu.dma_semaphore, #tpu.memory_space<semaphore_mem>>)
          "tpu.trace_stop"() : () -> ()
        } else {
        }
        %and3A_269 = arith.constant true
        %and3A_270 = arith.andi %and3A, %and3A_269 : i1
        %add3A_271 = arith.constant 1 : i32
        %add3A_272 = arith.addi %scan3A_194, %add3A_271 : i32
        %select_n3A_273 = arith.select %and3A_270, %add3A_272, %scan3A_194 : i32
        %ne3A_274 = arith.cmpi ne, %add3A_204, %add3A_240 : i32
        %ne3A_275 = arith.cmpi ne, %add3A_206, %add3A_242 : i32
        %or3A_276 = arith.constant false
        %or3A_277 = arith.ori %or3A_276, %ne3A_274 : i1
        %or3A_278 = arith.ori %or3A_277, %ne3A_275 : i1
        %or3A_279 = arith.constant false
        %or3A_280 = arith.ori %or3A_278, %or3A_279 : i1
        %ge3A_281 = arith.constant 71 : i32
        %ge3A_282 = arith.cmpi sge, %scan3A_193, %ge3A_281 : i32
        %not3A_283 = arith.constant true
        %not3A_284 = arith.xori %ge3A_282, %not3A_283 : i1
        %and3A_285 = arith.andi %or3A_280, %not3A_284 : i1
        %ne3A_286 = arith.cmpi ne, %add3A_204, %add3A_222 : i32
        %ne3A_287 = arith.cmpi ne, %add3A_206, %add3A_224 : i32
        %or3A_288 = arith.constant false
        %or3A_289 = arith.ori %or3A_288, %ne3A_286 : i1
        %or3A_290 = arith.ori %or3A_289, %ne3A_287 : i1
        %or3A_291 = arith.constant false
        %or3A_292 = arith.ori %or3A_290, %or3A_291 : i1
        %or3A_293 = arith.ori %or3A_292, %eq3A_201 : i1
        %convert_element_type3A_294 = arith.extui %or3A_293 : i1 to i32
        %cond3A_295 = arith.constant 0 : i32
        %cond3A_296 = arith.cmpi ne, %convert_element_type3A_294, %cond3A_295 : i32
        scf.if %cond3A_296 {
          "tpu.trace_start"() <{level = 10 : i32, message = "ep_wait_in"}> : () -> ()
          %mul3A_407 = arith.constant 1 : i32
          %mul3A_408 = arith.muli %mul3A_407, %add3A_204 : i32
          %mul3A_409 = arith.constant 64 : i32
          %mul3A_410 = arith.muli %mul3A_409, %add3A_206 : i32
          %rem3A_411 = arith.constant 2 : i32
          %rem3A_412 = arith.remui %scan3A_195, %rem3A_411 : i32
          %dma_wait3A_413 = arith.constant 0 : i32
          %dma_wait3A_414 = arith.constant 0 : i32
          %dma_wait3A_415 = arith.constant 0 : i32
          %dma_wait3A_416 = tpu.memref_slice %run_scoped3A[%rem3A_412, %dma_wait3A_413, %dma_wait3A_414, %dma_wait3A_415] : memref<2x1x64x384xf32, #tpu.memory_space<vmem>> -> memref<1x1x64x384xf32, #tpu.memory_space<vmem>>
          %dma_wait3A_417 = tpu.memref_squeeze %dma_wait3A_416 : memref<1x1x64x384xf32, #tpu.memory_space<vmem>> -> memref<1x64x384xf32, #tpu.memory_space<vmem>>
          %dma_wait3A_418 = arith.constant 0 : i32
          %dma_wait3A_419 = tpu.memref_slice %arg2[%mul3A_408, %mul3A_410, %dma_wait3A_418] : memref<384x384x384xf32, #tpu.memory_space<hbm>> -> memref<1x64x384xf32, #tpu.memory_space<hbm>>
          %dma_wait3A_420 = tpu.memref_slice %run_scoped3A_7[%rem3A_412] : memref<2x!tpu.dma_semaphore, #tpu.memory_space<semaphore_mem>> -> memref<1x!tpu.dma_semaphore, #tpu.memory_space<semaphore_mem>>
          %dma_wait3A_421 = tpu.memref_squeeze %dma_wait3A_420 : memref<1x!tpu.dma_semaphore, #tpu.memory_space<semaphore_mem>> -> memref<!tpu.dma_semaphore, #tpu.memory_space<semaphore_mem>>
          %dma_wait3A_422 = arith.constant 0 : i32
          %dma_wait3A_423 = arith.constant 0 : i32
          %dma_wait3A_424 = arith.constant 0 : i32
          %dma_wait3A_425 = tpu.memref_slice %run_scoped3A[%rem3A_412, %dma_wait3A_422, %dma_wait3A_423, %dma_wait3A_424] : memref<2x1x64x384xf32, #tpu.memory_space<vmem>> -> memref<1x1x64x384xf32, #tpu.memory_space<vmem>>
          %dma_wait3A_426 = tpu.memref_squeeze %dma_wait3A_425 : memref<1x1x64x384xf32, #tpu.memory_space<vmem>> -> memref<1x64x384xf32, #tpu.memory_space<vmem>>
          %dma_wait3A_427 = arith.constant 0 : i32
          %dma_wait3A_428 = tpu.memref_slice %arg2[%mul3A_408, %mul3A_410, %dma_wait3A_427] : memref<384x384x384xf32, #tpu.memory_space<hbm>> -> memref<1x64x384xf32, #tpu.memory_space<hbm>>
          tpu.wait_dma2 semaphore(%dma_wait3A_421 : memref<!tpu.dma_semaphore, #tpu.memory_space<semaphore_mem>>) src(%dma_wait3A_428 : memref<1x64x384xf32, #tpu.memory_space<hbm>>) dst(%dma_wait3A_426 : memref<1x64x384xf32, #tpu.memory_space<vmem>>)
          "tpu.trace_stop"() : () -> ()
        } else {
        }
        %ne3A_297 = arith.cmpi ne, %add3A_204, %add3A_222 : i32
        %ne3A_298 = arith.cmpi ne, %add3A_206, %add3A_224 : i32
        %or3A_299 = arith.constant false
        %or3A_300 = arith.ori %or3A_299, %ne3A_297 : i1
        %or3A_301 = arith.ori %or3A_300, %ne3A_298 : i1
        %or3A_302 = arith.constant false
        %or3A_303 = arith.ori %or3A_301, %or3A_302 : i1
        %or3A_304 = arith.ori %or3A_303, %eq3A_201 : i1
        %convert_element_type3A_305 = arith.extui %or3A_304 : i1 to i32
        %cond3A_306 = arith.constant 0 : i32
        %cond3A_307 = arith.cmpi ne, %convert_element_type3A_305, %cond3A_306 : i32
        scf.if %cond3A_307 {
        } else {
        }
        %rem3A_308 = arith.constant 2 : i32
        %rem3A_309 = arith.remui %scan3A_195, %rem3A_308 : i32
        %rem3A_310 = arith.constant 2 : i32
        %rem3A_311 = arith.remui %scan3A_196, %rem3A_310 : i32
        "tpu.trace_start"() <{level = 10 : i32, message = "ep_run_kernel"}> : () -> ()
        %rem3A_312 = arith.constant 96 : i32
        %rem3A_313 = arith.remsi %add3A_204, %rem3A_312 : i32
        %broadcast_in_dim3A = vector.broadcast %rem3A_313 : i32 to vector<16xi32>
        %gather3A = tpu.vector_load_idx %arg9[%broadcast_in_dim3A] : memref<96xf32, #tpu.memory_space<vmem>>[vector<16xi32>], vector<16xf32>,
        %mul3A_314 = arith.constant 51 : i32
        %mul3A_315 = vector.broadcast %mul3A_314 : i32 to vector<16xi32>
        %mul3A_316 = arith.muli %broadcast_in_dim3A, %mul3A_315 : vector<16xi32>
        %parallel_loop3A = arith.constant 0 : i32
        %parallel_loop3A_317 = arith.constant 8 : i32
        %parallel_loop3A_318 = arith.constant 1 : i32
        scf.for %parallel_loop3A_407 = %parallel_loop3A to %parallel_loop3A_317 step %parallel_loop3A_318  : i32 {
          %parallel_loop3A_408 = arith.constant 0 : i32
          %parallel_loop3A_409 = arith.constant 384 : i32
          %parallel_loop3A_410 = arith.constant 16 : i32
          scf.for %parallel_loop3A_411 = %parallel_loop3A_408 to %parallel_loop3A_409 step %parallel_loop3A_410  : i32 {
            %parallel_loop3A_412 = arith.constant 8 : i32
            %parallel_loop3A_413 = arith.muli %parallel_loop3A_407, %parallel_loop3A_412 : i32
            %parallel_loop3A_414 = arith.constant 0 : i32
            %parallel_loop3A_415 = arith.addi %parallel_loop3A_413, %parallel_loop3A_414 : i32
            %parallel_loop3A_416 = arith.constant 0 : i32
            %parallel_loop3A_417 = arith.constant 0 : i32
            %parallel_loop3A_418 = arith.constant 0 : i32
            %parallel_loop3A_419 = arith.constant 0 : i32
            %parallel_loop3A_420 = tpu.memref_slice %run_scoped3A[%rem3A_309, %parallel_loop3A_417, %parallel_loop3A_418, %parallel_loop3A_419] : memref<2x1x64x384xf32, #tpu.memory_space<vmem>> -> memref<1x1x64x384xf32, #tpu.memory_space<vmem>>
            %parallel_loop3A_421 = tpu.memref_squeeze %parallel_loop3A_420 : memref<1x1x64x384xf32, #tpu.memory_space<vmem>> -> memref<1x64x384xf32, #tpu.memory_space<vmem>>
            %parallel_loop3A_422 = arith.index_cast %parallel_loop3A_416 : i32 to index
            %parallel_loop3A_423 = arith.index_cast %parallel_loop3A_415 : i32 to index
            %parallel_loop3A_424 = arith.index_cast %parallel_loop3A_411 : i32 to index
            %parallel_loop3A_425 = tpu.vector_load %parallel_loop3A_421[%parallel_loop3A_422, %parallel_loop3A_423, %parallel_loop3A_424] {strides = array<i32>} : memref<1x64x384xf32, #tpu.memory_space<vmem>>, vector<16xf32>,
            %parallel_loop3A_426 = arith.mulf %parallel_loop3A_425, %gather3A : vector<16xf32>
            %parallel_loop3A_427 = arith.constant 2.500000e+01 : f32
            %parallel_loop3A_428 = vector.broadcast %parallel_loop3A_427 : f32 to vector<16xf32>
            %parallel_loop3A_429 = arith.addf %parallel_loop3A_426, %parallel_loop3A_428 : vector<16xf32>
            %parallel_loop3A_430 = arith.constant 0.000000e+00 : f32
            %parallel_loop3A_431 = vector.broadcast %parallel_loop3A_430 : f32 to vector<16xf32>
            %parallel_loop3A_432 = arith.maximumf %parallel_loop3A_429, %parallel_loop3A_431 : vector<16xf32>
            %parallel_loop3A_433 = arith.constant 4.900000e+01 : f32
            %parallel_loop3A_434 = vector.broadcast %parallel_loop3A_433 : f32 to vector<16xf32>
            %parallel_loop3A_435 = arith.minimumf %parallel_loop3A_432, %parallel_loop3A_434 : vector<16xf32>
            %parallel_loop3A_436 = arith.fptosi %parallel_loop3A_435 : vector<16xf32> to vector<16xi32>
            %parallel_loop3A_437 = arith.sitofp %parallel_loop3A_436 : vector<16xi32> to vector<16xf32>
            %parallel_loop3A_438 = arith.subf %parallel_loop3A_429, %parallel_loop3A_437 : vector<16xf32>
            %parallel_loop3A_439 = arith.addi %mul3A_316, %parallel_loop3A_436 : vector<16xi32>
            %parallel_loop3A_440 = tpu.vector_load_idx %arg7[%parallel_loop3A_439] : memref<4896xf32, #tpu.memory_space<vmem>>[vector<16xi32>], vector<16xf32>,
            %parallel_loop3A_441 = tpu.vector_load_idx %arg8[%parallel_loop3A_439] : memref<4896xf32, #tpu.memory_space<vmem>>[vector<16xi32>], vector<16xf32>,
            %parallel_loop3A_442 = arith.mulf %parallel_loop3A_438, %parallel_loop3A_441 : vector<16xf32>
            %parallel_loop3A_443 = arith.addf %parallel_loop3A_440, %parallel_loop3A_442 : vector<16xf32>
            %parallel_loop3A_444 = arith.constant 0 : i32
            %parallel_loop3A_445 = arith.constant 0 : i32
            %parallel_loop3A_446 = arith.constant 0 : i32
            %parallel_loop3A_447 = arith.constant 0 : i32
            %parallel_loop3A_448 = tpu.memref_slice %run_scoped3A_8[%rem3A_311, %parallel_loop3A_445, %parallel_loop3A_446, %parallel_loop3A_447] : memref<2x1x64x384xf32, #tpu.memory_space<vmem>> -> memref<1x1x64x384xf32, #tpu.memory_space<vmem>>
            %parallel_loop3A_449 = tpu.memref_squeeze %parallel_loop3A_448 : memref<1x1x64x384xf32, #tpu.memory_space<vmem>> -> memref<1x64x384xf32, #tpu.memory_space<vmem>>
            %parallel_loop3A_450 = arith.index_cast %parallel_loop3A_444 : i32 to index
            %parallel_loop3A_451 = arith.index_cast %parallel_loop3A_415 : i32 to index
            %parallel_loop3A_452 = arith.index_cast %parallel_loop3A_411 : i32 to index
            %parallel_loop3A_453 = tpu.vector_load %parallel_loop3A_449[%parallel_loop3A_450, %parallel_loop3A_451, %parallel_loop3A_452] {strides = array<i32>} : memref<1x64x384xf32, #tpu.memory_space<vmem>>, vector<16xf32>,
            tpu.vector_store %parallel_loop3A_449[%parallel_loop3A_450, %parallel_loop3A_451, %parallel_loop3A_452], %parallel_loop3A_443 {strides = array<i32>} : memref<1x64x384xf32, #tpu.memory_space<vmem>>, vector<16xf32>,
            %parallel_loop3A_454 = arith.constant 8 : i32
            %parallel_loop3A_455 = arith.muli %parallel_loop3A_407, %parallel_loop3A_454 : i32
            %parallel_loop3A_456 = arith.constant 1 : i32
            %parallel_loop3A_457 = arith.addi %parallel_loop3A_455, %parallel_loop3A_456 : i32
            %parallel_loop3A_458 = arith.constant 0 : i32
            %parallel_loop3A_459 = arith.constant 0 : i32
            %parallel_loop3A_460 = arith.constant 0 : i32
            %parallel_loop3A_461 = arith.constant 0 : i32
            %parallel_loop3A_462 = tpu.memref_slice %run_scoped3A[%rem3A_309, %parallel_loop3A_459, %parallel_loop3A_460, %parallel_loop3A_461] : memref<2x1x64x384xf32, #tpu.memory_space<vmem>> -> memref<1x1x64x384xf32, #tpu.memory_space<vmem>>
            %parallel_loop3A_463 = tpu.memref_squeeze %parallel_loop3A_462 : memref<1x1x64x384xf32, #tpu.memory_space<vmem>> -> memref<1x64x384xf32, #tpu.memory_space<vmem>>
            %parallel_loop3A_464 = arith.index_cast %parallel_loop3A_458 : i32 to index
            %parallel_loop3A_465 = arith.index_cast %parallel_loop3A_457 : i32 to index
            %parallel_loop3A_466 = arith.index_cast %parallel_loop3A_411 : i32 to index
            %parallel_loop3A_467 = tpu.vector_load %parallel_loop3A_463[%parallel_loop3A_464, %parallel_loop3A_465, %parallel_loop3A_466] {strides = array<i32>} : memref<1x64x384xf32, #tpu.memory_space<vmem>>, vector<16xf32>,
            %parallel_loop3A_468 = arith.mulf %parallel_loop3A_467, %gather3A : vector<16xf32>
            %parallel_loop3A_469 = arith.constant 2.500000e+01 : f32
            %parallel_loop3A_470 = vector.broadcast %parallel_loop3A_469 : f32 to vector<16xf32>
            %parallel_loop3A_471 = arith.addf %parallel_loop3A_468, %parallel_loop3A_470 : vector<16xf32>
            %parallel_loop3A_472 = arith.constant 0.000000e+00 : f32
            %parallel_loop3A_473 = vector.broadcast %parallel_loop3A_472 : f32 to vector<16xf32>
            %parallel_loop3A_474 = arith.maximumf %parallel_loop3A_471, %parallel_loop3A_473 : vector<16xf32>
            %parallel_loop3A_475 = arith.constant 4.900000e+01 : f32
            %parallel_loop3A_476 = vector.broadcast %parallel_loop3A_475 : f32 to vector<16xf32>
            %parallel_loop3A_477 = arith.minimumf %parallel_loop3A_474, %parallel_loop3A_476 : vector<16xf32>
            %parallel_loop3A_478 = arith.fptosi %parallel_loop3A_477 : vector<16xf32> to vector<16xi32>
            %parallel_loop3A_479 = arith.sitofp %parallel_loop3A_478 : vector<16xi32> to vector<16xf32>
            %parallel_loop3A_480 = arith.subf %parallel_loop3A_471, %parallel_loop3A_479 : vector<16xf32>
            %parallel_loop3A_481 = arith.addi %mul3A_316, %parallel_loop3A_478 : vector<16xi32>
            %parallel_loop3A_482 = tpu.vector_load_idx %arg7[%parallel_loop3A_481] : memref<4896xf32, #tpu.memory_space<vmem>>[vector<16xi32>], vector<16xf32>,
            %parallel_loop3A_483 = tpu.vector_load_idx %arg8[%parallel_loop3A_481] : memref<4896xf32, #tpu.memory_space<vmem>>[vector<16xi32>], vector<16xf32>,
            %parallel_loop3A_484 = arith.mulf %parallel_loop3A_480, %parallel_loop3A_483 : vector<16xf32>
            %parallel_loop3A_485 = arith.addf %parallel_loop3A_482, %parallel_loop3A_484 : vector<16xf32>
            %parallel_loop3A_486 = arith.constant 0 : i32
            %parallel_loop3A_487 = arith.constant 0 : i32
            %parallel_loop3A_488 = arith.constant 0 : i32
            %parallel_loop3A_489 = arith.constant 0 : i32
            %parallel_loop3A_490 = tpu.memref_slice %run_scoped3A_8[%rem3A_311, %parallel_loop3A_487, %parallel_loop3A_488, %parallel_loop3A_489] : memref<2x1x64x384xf32, #tpu.memory_space<vmem>> -> memref<1x1x64x384xf32, #tpu.memory_space<vmem>>
            %parallel_loop3A_491 = tpu.memref_squeeze %parallel_loop3A_490 : memref<1x1x64x384xf32, #tpu.memory_space<vmem>> -> memref<1x64x384xf32, #tpu.memory_space<vmem>>
            %parallel_loop3A_492 = arith.index_cast %parallel_loop3A_486 : i32 to index
            %parallel_loop3A_493 = arith.index_cast %parallel_loop3A_457 : i32 to index
            %parallel_loop3A_494 = arith.index_cast %parallel_loop3A_411 : i32 to index
            %parallel_loop3A_495 = tpu.vector_load %parallel_loop3A_491[%parallel_loop3A_492, %parallel_loop3A_493, %parallel_loop3A_494] {strides = array<i32>} : memref<1x64x384xf32, #tpu.memory_space<vmem>>, vector<16xf32>,
            tpu.vector_store %parallel_loop3A_491[%parallel_loop3A_492, %parallel_loop3A_493, %parallel_loop3A_494], %parallel_loop3A_485 {strides = array<i32>} : memref<1x64x384xf32, #tpu.memory_space<vmem>>, vector<16xf32>,
            %parallel_loop3A_496 = arith.constant 8 : i32
            %parallel_loop3A_497 = arith.muli %parallel_loop3A_407, %parallel_loop3A_496 : i32
            %parallel_loop3A_498 = arith.constant 2 : i32
            %parallel_loop3A_499 = arith.addi %parallel_loop3A_497, %parallel_loop3A_498 : i32
            %parallel_loop3A_500 = arith.constant 0 : i32
            %parallel_loop3A_501 = arith.constant 0 : i32
            %parallel_loop3A_502 = arith.constant 0 : i32
            %parallel_loop3A_503 = arith.constant 0 : i32
            %parallel_loop3A_504 = tpu.memref_slice %run_scoped3A[%rem3A_309, %parallel_loop3A_501, %parallel_loop3A_502, %parallel_loop3A_503] : memref<2x1x64x384xf32, #tpu.memory_space<vmem>> -> memref<1x1x64x384xf32, #tpu.memory_space<vmem>>
            %parallel_loop3A_505 = tpu.memref_squeeze %parallel_loop3A_504 : memref<1x1x64x384xf32, #tpu.memory_space<vmem>> -> memref<1x64x384xf32, #tpu.memory_space<vmem>>
            %parallel_loop3A_506 = arith.index_cast %parallel_loop3A_500 : i32 to index
            %parallel_loop3A_507 = arith.index_cast %parallel_loop3A_499 : i32 to index
            %parallel_loop3A_508 = arith.index_cast %parallel_loop3A_411 : i32 to index
            %parallel_loop3A_509 = tpu.vector_load %parallel_loop3A_505[%parallel_loop3A_506, %parallel_loop3A_507, %parallel_loop3A_508] {strides = array<i32>} : memref<1x64x384xf32, #tpu.memory_space<vmem>>, vector<16xf32>,
            %parallel_loop3A_510 = arith.mulf %parallel_loop3A_509, %gather3A : vector<16xf32>
            %parallel_loop3A_511 = arith.constant 2.500000e+01 : f32
            %parallel_loop3A_512 = vector.broadcast %parallel_loop3A_511 : f32 to vector<16xf32>
            %parallel_loop3A_513 = arith.addf %parallel_loop3A_510, %parallel_loop3A_512 : vector<16xf32>
            %parallel_loop3A_514 = arith.constant 0.000000e+00 : f32
            %parallel_loop3A_515 = vector.broadcast %parallel_loop3A_514 : f32 to vector<16xf32>
            %parallel_loop3A_516 = arith.maximumf %parallel_loop3A_513, %parallel_loop3A_515 : vector<16xf32>
            %parallel_loop3A_517 = arith.constant 4.900000e+01 : f32
            %parallel_loop3A_518 = vector.broadcast %parallel_loop3A_517 : f32 to vector<16xf32>
            %parallel_loop3A_519 = arith.minimumf %parallel_loop3A_516, %parallel_loop3A_518 : vector<16xf32>
            %parallel_loop3A_520 = arith.fptosi %parallel_loop3A_519 : vector<16xf32> to vector<16xi32>
            %parallel_loop3A_521 = arith.sitofp %parallel_loop3A_520 : vector<16xi32> to vector<16xf32>
            %parallel_loop3A_522 = arith.subf %parallel_loop3A_513, %parallel_loop3A_521 : vector<16xf32>
            %parallel_loop3A_523 = arith.addi %mul3A_316, %parallel_loop3A_520 : vector<16xi32>
            %parallel_loop3A_524 = tpu.vector_load_idx %arg7[%parallel_loop3A_523] : memref<4896xf32, #tpu.memory_space<vmem>>[vector<16xi32>], vector<16xf32>,
            %parallel_loop3A_525 = tpu.vector_load_idx %arg8[%parallel_loop3A_523] : memref<4896xf32, #tpu.memory_space<vmem>>[vector<16xi32>], vector<16xf32>,
            %parallel_loop3A_526 = arith.mulf %parallel_loop3A_522, %parallel_loop3A_525 : vector<16xf32>
            %parallel_loop3A_527 = arith.addf %parallel_loop3A_524, %parallel_loop3A_526 : vector<16xf32>
            %parallel_loop3A_528 = arith.constant 0 : i32
            %parallel_loop3A_529 = arith.constant 0 : i32
            %parallel_loop3A_530 = arith.constant 0 : i32
            %parallel_loop3A_531 = arith.constant 0 : i32
            %parallel_loop3A_532 = tpu.memref_slice %run_scoped3A_8[%rem3A_311, %parallel_loop3A_529, %parallel_loop3A_530, %parallel_loop3A_531] : memref<2x1x64x384xf32, #tpu.memory_space<vmem>> -> memref<1x1x64x384xf32, #tpu.memory_space<vmem>>
            %parallel_loop3A_533 = tpu.memref_squeeze %parallel_loop3A_532 : memref<1x1x64x384xf32, #tpu.memory_space<vmem>> -> memref<1x64x384xf32, #tpu.memory_space<vmem>>
            %parallel_loop3A_534 = arith.index_cast %parallel_loop3A_528 : i32 to index
            %parallel_loop3A_535 = arith.index_cast %parallel_loop3A_499 : i32 to index
            %parallel_loop3A_536 = arith.index_cast %parallel_loop3A_411 : i32 to index
            %parallel_loop3A_537 = tpu.vector_load %parallel_loop3A_533[%parallel_loop3A_534, %parallel_loop3A_535, %parallel_loop3A_536] {strides = array<i32>} : memref<1x64x384xf32, #tpu.memory_space<vmem>>, vector<16xf32>,
            tpu.vector_store %parallel_loop3A_533[%parallel_loop3A_534, %parallel_loop3A_535, %parallel_loop3A_536], %parallel_loop3A_527 {strides = array<i32>} : memref<1x64x384xf32, #tpu.memory_space<vmem>>, vector<16xf32>,
            %parallel_loop3A_538 = arith.constant 8 : i32
            %parallel_loop3A_539 = arith.muli %parallel_loop3A_407, %parallel_loop3A_538 : i32
            %parallel_loop3A_540 = arith.constant 3 : i32
            %parallel_loop3A_541 = arith.addi %parallel_loop3A_539, %parallel_loop3A_540 : i32
            %parallel_loop3A_542 = arith.constant 0 : i32
            %parallel_loop3A_543 = arith.constant 0 : i32
            %parallel_loop3A_544 = arith.constant 0 : i32
            %parallel_loop3A_545 = arith.constant 0 : i32
            %parallel_loop3A_546 = tpu.memref_slice %run_scoped3A[%rem3A_309, %parallel_loop3A_543, %parallel_loop3A_544, %parallel_loop3A_545] : memref<2x1x64x384xf32, #tpu.memory_space<vmem>> -> memref<1x1x64x384xf32, #tpu.memory_space<vmem>>
            %parallel_loop3A_547 = tpu.memref_squeeze %parallel_loop3A_546 : memref<1x1x64x384xf32, #tpu.memory_space<vmem>> -> memref<1x64x384xf32, #tpu.memory_space<vmem>>
            %parallel_loop3A_548 = arith.index_cast %parallel_loop3A_542 : i32 to index
            %parallel_loop3A_549 = arith.index_cast %parallel_loop3A_541 : i32 to index
            %parallel_loop3A_550 = arith.index_cast %parallel_loop3A_411 : i32 to index
            %parallel_loop3A_551 = tpu.vector_load %parallel_loop3A_547[%parallel_loop3A_548, %parallel_loop3A_549, %parallel_loop3A_550] {strides = array<i32>} : memref<1x64x384xf32, #tpu.memory_space<vmem>>, vector<16xf32>,
            %parallel_loop3A_552 = arith.mulf %parallel_loop3A_551, %gather3A : vector<16xf32>
            %parallel_loop3A_553 = arith.constant 2.500000e+01 : f32
            %parallel_loop3A_554 = vector.broadcast %parallel_loop3A_553 : f32 to vector<16xf32>
            %parallel_loop3A_555 = arith.addf %parallel_loop3A_552, %parallel_loop3A_554 : vector<16xf32>
            %parallel_loop3A_556 = arith.constant 0.000000e+00 : f32
            %parallel_loop3A_557 = vector.broadcast %parallel_loop3A_556 : f32 to vector<16xf32>
            %parallel_loop3A_558 = arith.maximumf %parallel_loop3A_555, %parallel_loop3A_557 : vector<16xf32>
            %parallel_loop3A_559 = arith.constant 4.900000e+01 : f32
            %parallel_loop3A_560 = vector.broadcast %parallel_loop3A_559 : f32 to vector<16xf32>
            %parallel_loop3A_561 = arith.minimumf %parallel_loop3A_558, %parallel_loop3A_560 : vector<16xf32>
            %parallel_loop3A_562 = arith.fptosi %parallel_loop3A_561 : vector<16xf32> to vector<16xi32>
            %parallel_loop3A_563 = arith.sitofp %parallel_loop3A_562 : vector<16xi32> to vector<16xf32>
            %parallel_loop3A_564 = arith.subf %parallel_loop3A_555, %parallel_loop3A_563 : vector<16xf32>
            %parallel_loop3A_565 = arith.addi %mul3A_316, %parallel_loop3A_562 : vector<16xi32>
            %parallel_loop3A_566 = tpu.vector_load_idx %arg7[%parallel_loop3A_565] : memref<4896xf32, #tpu.memory_space<vmem>>[vector<16xi32>], vector<16xf32>,
            %parallel_loop3A_567 = tpu.vector_load_idx %arg8[%parallel_loop3A_565] : memref<4896xf32, #tpu.memory_space<vmem>>[vector<16xi32>], vector<16xf32>,
            %parallel_loop3A_568 = arith.mulf %parallel_loop3A_564, %parallel_loop3A_567 : vector<16xf32>
            %parallel_loop3A_569 = arith.addf %parallel_loop3A_566, %parallel_loop3A_568 : vector<16xf32>
            %parallel_loop3A_570 = arith.constant 0 : i32
            %parallel_loop3A_571 = arith.constant 0 : i32
            %parallel_loop3A_572 = arith.constant 0 : i32
            %parallel_loop3A_573 = arith.constant 0 : i32
            %parallel_loop3A_574 = tpu.memref_slice %run_scoped3A_8[%rem3A_311, %parallel_loop3A_571, %parallel_loop3A_572, %parallel_loop3A_573] : memref<2x1x64x384xf32, #tpu.memory_space<vmem>> -> memref<1x1x64x384xf32, #tpu.memory_space<vmem>>
            %parallel_loop3A_575 = tpu.memref_squeeze %parallel_loop3A_574 : memref<1x1x64x384xf32, #tpu.memory_space<vmem>> -> memref<1x64x384xf32, #tpu.memory_space<vmem>>
            %parallel_loop3A_576 = arith.index_cast %parallel_loop3A_570 : i32 to index
            %parallel_loop3A_577 = arith.index_cast %parallel_loop3A_541 : i32 to index
            %parallel_loop3A_578 = arith.index_cast %parallel_loop3A_411 : i32 to index
            %parallel_loop3A_579 = tpu.vector_load %parallel_loop3A_575[%parallel_loop3A_576, %parallel_loop3A_577, %parallel_loop3A_578] {strides = array<i32>} : memref<1x64x384xf32, #tpu.memory_space<vmem>>, vector<16xf32>,
            tpu.vector_store %parallel_loop3A_575[%parallel_loop3A_576, %parallel_loop3A_577, %parallel_loop3A_578], %parallel_loop3A_569 {strides = array<i32>} : memref<1x64x384xf32, #tpu.memory_space<vmem>>, vector<16xf32>,
            %parallel_loop3A_580 = arith.constant 8 : i32
            %parallel_loop3A_581 = arith.muli %parallel_loop3A_407, %parallel_loop3A_580 : i32
            %parallel_loop3A_582 = arith.constant 4 : i32
            %parallel_loop3A_583 = arith.addi %parallel_loop3A_581, %parallel_loop3A_582 : i32
            %parallel_loop3A_584 = arith.constant 0 : i32
            %parallel_loop3A_585 = arith.constant 0 : i32
            %parallel_loop3A_586 = arith.constant 0 : i32
            %parallel_loop3A_587 = arith.constant 0 : i32
            %parallel_loop3A_588 = tpu.memref_slice %run_scoped3A[%rem3A_309, %parallel_loop3A_585, %parallel_loop3A_586, %parallel_loop3A_587] : memref<2x1x64x384xf32, #tpu.memory_space<vmem>> -> memref<1x1x64x384xf32, #tpu.memory_space<vmem>>
            %parallel_loop3A_589 = tpu.memref_squeeze %parallel_loop3A_588 : memref<1x1x64x384xf32, #tpu.memory_space<vmem>> -> memref<1x64x384xf32, #tpu.memory_space<vmem>>
            %parallel_loop3A_590 = arith.index_cast %parallel_loop3A_584 : i32 to index
            %parallel_loop3A_591 = arith.index_cast %parallel_loop3A_583 : i32 to index
            %parallel_loop3A_592 = arith.index_cast %parallel_loop3A_411 : i32 to index
            %parallel_loop3A_593 = tpu.vector_load %parallel_loop3A_589[%parallel_loop3A_590, %parallel_loop3A_591, %parallel_loop3A_592] {strides = array<i32>} : memref<1x64x384xf32, #tpu.memory_space<vmem>>, vector<16xf32>,
            %parallel_loop3A_594 = arith.mulf %parallel_loop3A_593, %gather3A : vector<16xf32>
            %parallel_loop3A_595 = arith.constant 2.500000e+01 : f32
            %parallel_loop3A_596 = vector.broadcast %parallel_loop3A_595 : f32 to vector<16xf32>
            %parallel_loop3A_597 = arith.addf %parallel_loop3A_594, %parallel_loop3A_596 : vector<16xf32>
            %parallel_loop3A_598 = arith.constant 0.000000e+00 : f32
            %parallel_loop3A_599 = vector.broadcast %parallel_loop3A_598 : f32 to vector<16xf32>
            %parallel_loop3A_600 = arith.maximumf %parallel_loop3A_597, %parallel_loop3A_599 : vector<16xf32>
            %parallel_loop3A_601 = arith.constant 4.900000e+01 : f32
            %parallel_loop3A_602 = vector.broadcast %parallel_loop3A_601 : f32 to vector<16xf32>
            %parallel_loop3A_603 = arith.minimumf %parallel_loop3A_600, %parallel_loop3A_602 : vector<16xf32>
            %parallel_loop3A_604 = arith.fptosi %parallel_loop3A_603 : vector<16xf32> to vector<16xi32>
            %parallel_loop3A_605 = arith.sitofp %parallel_loop3A_604 : vector<16xi32> to vector<16xf32>
            %parallel_loop3A_606 = arith.subf %parallel_loop3A_597, %parallel_loop3A_605 : vector<16xf32>
            %parallel_loop3A_607 = arith.addi %mul3A_316, %parallel_loop3A_604 : vector<16xi32>
            %parallel_loop3A_608 = tpu.vector_load_idx %arg7[%parallel_loop3A_607] : memref<4896xf32, #tpu.memory_space<vmem>>[vector<16xi32>], vector<16xf32>,
            %parallel_loop3A_609 = tpu.vector_load_idx %arg8[%parallel_loop3A_607] : memref<4896xf32, #tpu.memory_space<vmem>>[vector<16xi32>], vector<16xf32>,
            %parallel_loop3A_610 = arith.mulf %parallel_loop3A_606, %parallel_loop3A_609 : vector<16xf32>
            %parallel_loop3A_611 = arith.addf %parallel_loop3A_608, %parallel_loop3A_610 : vector<16xf32>
            %parallel_loop3A_612 = arith.constant 0 : i32
            %parallel_loop3A_613 = arith.constant 0 : i32
            %parallel_loop3A_614 = arith.constant 0 : i32
            %parallel_loop3A_615 = arith.constant 0 : i32
            %parallel_loop3A_616 = tpu.memref_slice %run_scoped3A_8[%rem3A_311, %parallel_loop3A_613, %parallel_loop3A_614, %parallel_loop3A_615] : memref<2x1x64x384xf32, #tpu.memory_space<vmem>> -> memref<1x1x64x384xf32, #tpu.memory_space<vmem>>
            %parallel_loop3A_617 = tpu.memref_squeeze %parallel_loop3A_616 : memref<1x1x64x384xf32, #tpu.memory_space<vmem>> -> memref<1x64x384xf32, #tpu.memory_space<vmem>>
            %parallel_loop3A_618 = arith.index_cast %parallel_loop3A_612 : i32 to index
            %parallel_loop3A_619 = arith.index_cast %parallel_loop3A_583 : i32 to index
            %parallel_loop3A_620 = arith.index_cast %parallel_loop3A_411 : i32 to index
            %parallel_loop3A_621 = tpu.vector_load %parallel_loop3A_617[%parallel_loop3A_618, %parallel_loop3A_619, %parallel_loop3A_620] {strides = array<i32>} : memref<1x64x384xf32, #tpu.memory_space<vmem>>, vector<16xf32>,
            tpu.vector_store %parallel_loop3A_617[%parallel_loop3A_618, %parallel_loop3A_619, %parallel_loop3A_620], %parallel_loop3A_611 {strides = array<i32>} : memref<1x64x384xf32, #tpu.memory_space<vmem>>, vector<16xf32>,
            %parallel_loop3A_622 = arith.constant 8 : i32
            %parallel_loop3A_623 = arith.muli %parallel_loop3A_407, %parallel_loop3A_622 : i32
            %parallel_loop3A_624 = arith.constant 5 : i32
            %parallel_loop3A_625 = arith.addi %parallel_loop3A_623, %parallel_loop3A_624 : i32
            %parallel_loop3A_626 = arith.constant 0 : i32
            %parallel_loop3A_627 = arith.constant 0 : i32
            %parallel_loop3A_628 = arith.constant 0 : i32
            %parallel_loop3A_629 = arith.constant 0 : i32
            %parallel_loop3A_630 = tpu.memref_slice %run_scoped3A[%rem3A_309, %parallel_loop3A_627, %parallel_loop3A_628, %parallel_loop3A_629] : memref<2x1x64x384xf32, #tpu.memory_space<vmem>> -> memref<1x1x64x384xf32, #tpu.memory_space<vmem>>
            %parallel_loop3A_631 = tpu.memref_squeeze %parallel_loop3A_630 : memref<1x1x64x384xf32, #tpu.memory_space<vmem>> -> memref<1x64x384xf32, #tpu.memory_space<vmem>>
            %parallel_loop3A_632 = arith.index_cast %parallel_loop3A_626 : i32 to index
            %parallel_loop3A_633 = arith.index_cast %parallel_loop3A_625 : i32 to index
            %parallel_loop3A_634 = arith.index_cast %parallel_loop3A_411 : i32 to index
            %parallel_loop3A_635 = tpu.vector_load %parallel_loop3A_631[%parallel_loop3A_632, %parallel_loop3A_633, %parallel_loop3A_634] {strides = array<i32>} : memref<1x64x384xf32, #tpu.memory_space<vmem>>, vector<16xf32>,
            %parallel_loop3A_636 = arith.mulf %parallel_loop3A_635, %gather3A : vector<16xf32>
            %parallel_loop3A_637 = arith.constant 2.500000e+01 : f32
            %parallel_loop3A_638 = vector.broadcast %parallel_loop3A_637 : f32 to vector<16xf32>
            %parallel_loop3A_639 = arith.addf %parallel_loop3A_636, %parallel_loop3A_638 : vector<16xf32>
            %parallel_loop3A_640 = arith.constant 0.000000e+00 : f32
            %parallel_loop3A_641 = vector.broadcast %parallel_loop3A_640 : f32 to vector<16xf32>
            %parallel_loop3A_642 = arith.maximumf %parallel_loop3A_639, %parallel_loop3A_641 : vector<16xf32>
            %parallel_loop3A_643 = arith.constant 4.900000e+01 : f32
            %parallel_loop3A_644 = vector.broadcast %parallel_loop3A_643 : f32 to vector<16xf32>
            %parallel_loop3A_645 = arith.minimumf %parallel_loop3A_642, %parallel_loop3A_644 : vector<16xf32>
            %parallel_loop3A_646 = arith.fptosi %parallel_loop3A_645 : vector<16xf32> to vector<16xi32>
            %parallel_loop3A_647 = arith.sitofp %parallel_loop3A_646 : vector<16xi32> to vector<16xf32>
            %parallel_loop3A_648 = arith.subf %parallel_loop3A_639, %parallel_loop3A_647 : vector<16xf32>
            %parallel_loop3A_649 = arith.addi %mul3A_316, %parallel_loop3A_646 : vector<16xi32>
            %parallel_loop3A_650 = tpu.vector_load_idx %arg7[%parallel_loop3A_649] : memref<4896xf32, #tpu.memory_space<vmem>>[vector<16xi32>], vector<16xf32>,
            %parallel_loop3A_651 = tpu.vector_load_idx %arg8[%parallel_loop3A_649] : memref<4896xf32, #tpu.memory_space<vmem>>[vector<16xi32>], vector<16xf32>,
            %parallel_loop3A_652 = arith.mulf %parallel_loop3A_648, %parallel_loop3A_651 : vector<16xf32>
            %parallel_loop3A_653 = arith.addf %parallel_loop3A_650, %parallel_loop3A_652 : vector<16xf32>
            %parallel_loop3A_654 = arith.constant 0 : i32
            %parallel_loop3A_655 = arith.constant 0 : i32
            %parallel_loop3A_656 = arith.constant 0 : i32
            %parallel_loop3A_657 = arith.constant 0 : i32
            %parallel_loop3A_658 = tpu.memref_slice %run_scoped3A_8[%rem3A_311, %parallel_loop3A_655, %parallel_loop3A_656, %parallel_loop3A_657] : memref<2x1x64x384xf32, #tpu.memory_space<vmem>> -> memref<1x1x64x384xf32, #tpu.memory_space<vmem>>
            %parallel_loop3A_659 = tpu.memref_squeeze %parallel_loop3A_658 : memref<1x1x64x384xf32, #tpu.memory_space<vmem>> -> memref<1x64x384xf32, #tpu.memory_space<vmem>>
            %parallel_loop3A_660 = arith.index_cast %parallel_loop3A_654 : i32 to index
            %parallel_loop3A_661 = arith.index_cast %parallel_loop3A_625 : i32 to index
            %parallel_loop3A_662 = arith.index_cast %parallel_loop3A_411 : i32 to index
            %parallel_loop3A_663 = tpu.vector_load %parallel_loop3A_659[%parallel_loop3A_660, %parallel_loop3A_661, %parallel_loop3A_662] {strides = array<i32>} : memref<1x64x384xf32, #tpu.memory_space<vmem>>, vector<16xf32>,
            tpu.vector_store %parallel_loop3A_659[%parallel_loop3A_660, %parallel_loop3A_661, %parallel_loop3A_662], %parallel_loop3A_653 {strides = array<i32>} : memref<1x64x384xf32, #tpu.memory_space<vmem>>, vector<16xf32>,
            %parallel_loop3A_664 = arith.constant 8 : i32
            %parallel_loop3A_665 = arith.muli %parallel_loop3A_407, %parallel_loop3A_664 : i32
            %parallel_loop3A_666 = arith.constant 6 : i32
            %parallel_loop3A_667 = arith.addi %parallel_loop3A_665, %parallel_loop3A_666 : i32
            %parallel_loop3A_668 = arith.constant 0 : i32
            %parallel_loop3A_669 = arith.constant 0 : i32
            %parallel_loop3A_670 = arith.constant 0 : i32
            %parallel_loop3A_671 = arith.constant 0 : i32
            %parallel_loop3A_672 = tpu.memref_slice %run_scoped3A[%rem3A_309, %parallel_loop3A_669, %parallel_loop3A_670, %parallel_loop3A_671] : memref<2x1x64x384xf32, #tpu.memory_space<vmem>> -> memref<1x1x64x384xf32, #tpu.memory_space<vmem>>
            %parallel_loop3A_673 = tpu.memref_squeeze %parallel_loop3A_672 : memref<1x1x64x384xf32, #tpu.memory_space<vmem>> -> memref<1x64x384xf32, #tpu.memory_space<vmem>>
            %parallel_loop3A_674 = arith.index_cast %parallel_loop3A_668 : i32 to index
            %parallel_loop3A_675 = arith.index_cast %parallel_loop3A_667 : i32 to index
            %parallel_loop3A_676 = arith.index_cast %parallel_loop3A_411 : i32 to index
            %parallel_loop3A_677 = tpu.vector_load %parallel_loop3A_673[%parallel_loop3A_674, %parallel_loop3A_675, %parallel_loop3A_676] {strides = array<i32>} : memref<1x64x384xf32, #tpu.memory_space<vmem>>, vector<16xf32>,
            %parallel_loop3A_678 = arith.mulf %parallel_loop3A_677, %gather3A : vector<16xf32>
            %parallel_loop3A_679 = arith.constant 2.500000e+01 : f32
            %parallel_loop3A_680 = vector.broadcast %parallel_loop3A_679 : f32 to vector<16xf32>
            %parallel_loop3A_681 = arith.addf %parallel_loop3A_678, %parallel_loop3A_680 : vector<16xf32>
            %parallel_loop3A_682 = arith.constant 0.000000e+00 : f32
            %parallel_loop3A_683 = vector.broadcast %parallel_loop3A_682 : f32 to vector<16xf32>
            %parallel_loop3A_684 = arith.maximumf %parallel_loop3A_681, %parallel_loop3A_683 : vector<16xf32>
            %parallel_loop3A_685 = arith.constant 4.900000e+01 : f32
            %parallel_loop3A_686 = vector.broadcast %parallel_loop3A_685 : f32 to vector<16xf32>
            %parallel_loop3A_687 = arith.minimumf %parallel_loop3A_684, %parallel_loop3A_686 : vector<16xf32>
            %parallel_loop3A_688 = arith.fptosi %parallel_loop3A_687 : vector<16xf32> to vector<16xi32>
            %parallel_loop3A_689 = arith.sitofp %parallel_loop3A_688 : vector<16xi32> to vector<16xf32>
            %parallel_loop3A_690 = arith.subf %parallel_loop3A_681, %parallel_loop3A_689 : vector<16xf32>
            %parallel_loop3A_691 = arith.addi %mul3A_316, %parallel_loop3A_688 : vector<16xi32>
            %parallel_loop3A_692 = tpu.vector_load_idx %arg7[%parallel_loop3A_691] : memref<4896xf32, #tpu.memory_space<vmem>>[vector<16xi32>], vector<16xf32>,
            %parallel_loop3A_693 = tpu.vector_load_idx %arg8[%parallel_loop3A_691] : memref<4896xf32, #tpu.memory_space<vmem>>[vector<16xi32>], vector<16xf32>,
            %parallel_loop3A_694 = arith.mulf %parallel_loop3A_690, %parallel_loop3A_693 : vector<16xf32>
            %parallel_loop3A_695 = arith.addf %parallel_loop3A_692, %parallel_loop3A_694 : vector<16xf32>
            %parallel_loop3A_696 = arith.constant 0 : i32
            %parallel_loop3A_697 = arith.constant 0 : i32
            %parallel_loop3A_698 = arith.constant 0 : i32
            %parallel_loop3A_699 = arith.constant 0 : i32
            %parallel_loop3A_700 = tpu.memref_slice %run_scoped3A_8[%rem3A_311, %parallel_loop3A_697, %parallel_loop3A_698, %parallel_loop3A_699] : memref<2x1x64x384xf32, #tpu.memory_space<vmem>> -> memref<1x1x64x384xf32, #tpu.memory_space<vmem>>
            %parallel_loop3A_701 = tpu.memref_squeeze %parallel_loop3A_700 : memref<1x1x64x384xf32, #tpu.memory_space<vmem>> -> memref<1x64x384xf32, #tpu.memory_space<vmem>>
            %parallel_loop3A_702 = arith.index_cast %parallel_loop3A_696 : i32 to index
            %parallel_loop3A_703 = arith.index_cast %parallel_loop3A_667 : i32 to index
            %parallel_loop3A_704 = arith.index_cast %parallel_loop3A_411 : i32 to index
            %parallel_loop3A_705 = tpu.vector_load %parallel_loop3A_701[%parallel_loop3A_702, %parallel_loop3A_703, %parallel_loop3A_704] {strides = array<i32>} : memref<1x64x384xf32, #tpu.memory_space<vmem>>, vector<16xf32>,
            tpu.vector_store %parallel_loop3A_701[%parallel_loop3A_702, %parallel_loop3A_703, %parallel_loop3A_704], %parallel_loop3A_695 {strides = array<i32>} : memref<1x64x384xf32, #tpu.memory_space<vmem>>, vector<16xf32>,
            %parallel_loop3A_706 = arith.constant 8 : i32
            %parallel_loop3A_707 = arith.muli %parallel_loop3A_407, %parallel_loop3A_706 : i32
            %parallel_loop3A_708 = arith.constant 7 : i32
            %parallel_loop3A_709 = arith.addi %parallel_loop3A_707, %parallel_loop3A_708 : i32
            %parallel_loop3A_710 = arith.constant 0 : i32
            %parallel_loop3A_711 = arith.constant 0 : i32
            %parallel_loop3A_712 = arith.constant 0 : i32
            %parallel_loop3A_713 = arith.constant 0 : i32
            %parallel_loop3A_714 = tpu.memref_slice %run_scoped3A[%rem3A_309, %parallel_loop3A_711, %parallel_loop3A_712, %parallel_loop3A_713] : memref<2x1x64x384xf32, #tpu.memory_space<vmem>> -> memref<1x1x64x384xf32, #tpu.memory_space<vmem>>
            %parallel_loop3A_715 = tpu.memref_squeeze %parallel_loop3A_714 : memref<1x1x64x384xf32, #tpu.memory_space<vmem>> -> memref<1x64x384xf32, #tpu.memory_space<vmem>>
            %parallel_loop3A_716 = arith.index_cast %parallel_loop3A_710 : i32 to index
            %parallel_loop3A_717 = arith.index_cast %parallel_loop3A_709 : i32 to index
            %parallel_loop3A_718 = arith.index_cast %parallel_loop3A_411 : i32 to index
            %parallel_loop3A_719 = tpu.vector_load %parallel_loop3A_715[%parallel_loop3A_716, %parallel_loop3A_717, %parallel_loop3A_718] {strides = array<i32>} : memref<1x64x384xf32, #tpu.memory_space<vmem>>, vector<16xf32>,
            %parallel_loop3A_720 = arith.mulf %parallel_loop3A_719, %gather3A : vector<16xf32>
            %parallel_loop3A_721 = arith.constant 2.500000e+01 : f32
            %parallel_loop3A_722 = vector.broadcast %parallel_loop3A_721 : f32 to vector<16xf32>
            %parallel_loop3A_723 = arith.addf %parallel_loop3A_720, %parallel_loop3A_722 : vector<16xf32>
            %parallel_loop3A_724 = arith.constant 0.000000e+00 : f32
            %parallel_loop3A_725 = vector.broadcast %parallel_loop3A_724 : f32 to vector<16xf32>
            %parallel_loop3A_726 = arith.maximumf %parallel_loop3A_723, %parallel_loop3A_725 : vector<16xf32>
            %parallel_loop3A_727 = arith.constant 4.900000e+01 : f32
            %parallel_loop3A_728 = vector.broadcast %parallel_loop3A_727 : f32 to vector<16xf32>
            %parallel_loop3A_729 = arith.minimumf %parallel_loop3A_726, %parallel_loop3A_728 : vector<16xf32>
            %parallel_loop3A_730 = arith.fptosi %parallel_loop3A_729 : vector<16xf32> to vector<16xi32>
            %parallel_loop3A_731 = arith.sitofp %parallel_loop3A_730 : vector<16xi32> to vector<16xf32>
            %parallel_loop3A_732 = arith.subf %parallel_loop3A_723, %parallel_loop3A_731 : vector<16xf32>
            %parallel_loop3A_733 = arith.addi %mul3A_316, %parallel_loop3A_730 : vector<16xi32>
            %parallel_loop3A_734 = tpu.vector_load_idx %arg7[%parallel_loop3A_733] : memref<4896xf32, #tpu.memory_space<vmem>>[vector<16xi32>], vector<16xf32>,
            %parallel_loop3A_735 = tpu.vector_load_idx %arg8[%parallel_loop3A_733] : memref<4896xf32, #tpu.memory_space<vmem>>[vector<16xi32>], vector<16xf32>,
            %parallel_loop3A_736 = arith.mulf %parallel_loop3A_732, %parallel_loop3A_735 : vector<16xf32>
            %parallel_loop3A_737 = arith.addf %parallel_loop3A_734, %parallel_loop3A_736 : vector<16xf32>
            %parallel_loop3A_738 = arith.constant 0 : i32
            %parallel_loop3A_739 = arith.constant 0 : i32
            %parallel_loop3A_740 = arith.constant 0 : i32
            %parallel_loop3A_741 = arith.constant 0 : i32
            %parallel_loop3A_742 = tpu.memref_slice %run_scoped3A_8[%rem3A_311, %parallel_loop3A_739, %parallel_loop3A_740, %parallel_loop3A_741] : memref<2x1x64x384xf32, #tpu.memory_space<vmem>> -> memref<1x1x64x384xf32, #tpu.memory_space<vmem>>
            %parallel_loop3A_743 = tpu.memref_squeeze %parallel_loop3A_742 : memref<1x1x64x384xf32, #tpu.memory_space<vmem>> -> memref<1x64x384xf32, #tpu.memory_space<vmem>>
            %parallel_loop3A_744 = arith.index_cast %parallel_loop3A_738 : i32 to index
            %parallel_loop3A_745 = arith.index_cast %parallel_loop3A_709 : i32 to index
            %parallel_loop3A_746 = arith.index_cast %parallel_loop3A_411 : i32 to index
            %parallel_loop3A_747 = tpu.vector_load %parallel_loop3A_743[%parallel_loop3A_744, %parallel_loop3A_745, %parallel_loop3A_746] {strides = array<i32>} : memref<1x64x384xf32, #tpu.memory_space<vmem>>, vector<16xf32>,
            tpu.vector_store %parallel_loop3A_743[%parallel_loop3A_744, %parallel_loop3A_745, %parallel_loop3A_746], %parallel_loop3A_737 {strides = array<i32>} : memref<1x64x384xf32, #tpu.memory_space<vmem>>, vector<16xf32>,
          } {sc.loop_unroll_factor = 2 : i64, sc.parallel_access}
        } {sc.loop_unroll_factor = 1 : i64, sc.parallel_access}
        "tpu.trace_stop"() : () -> ()
        %ne3A_319 = arith.cmpi ne, %add3A_204, %add3A_240 : i32
        %ne3A_320 = arith.cmpi ne, %add3A_206, %add3A_242 : i32
        %or3A_321 = arith.constant false
        %or3A_322 = arith.ori %or3A_321, %ne3A_319 : i1
        %or3A_323 = arith.ori %or3A_322, %ne3A_320 : i1
        %or3A_324 = arith.constant false
        %or3A_325 = arith.ori %or3A_323, %or3A_324 : i1
        %or3A_326 = arith.ori %or3A_325, %eq3A_203 : i1
        %convert_element_type3A_327 = arith.extui %or3A_326 : i1 to i32
        %cond3A_328 = arith.constant 0 : i32
        %cond3A_329 = arith.cmpi ne, %convert_element_type3A_327, %cond3A_328 : i32
        scf.if %cond3A_329 {
        } else {
        }
        %and3A_330 = arith.constant false
        %and3A_331 = arith.andi %or3A_326, %and3A_330 : i1
        %ne3A_332 = arith.cmpi ne, %add3A_204, %add3A_240 : i32
        %ne3A_333 = arith.cmpi ne, %add3A_206, %add3A_242 : i32
        %or3A_334 = arith.constant false
        %or3A_335 = arith.ori %or3A_334, %ne3A_332 : i1
        %or3A_336 = arith.ori %or3A_335, %ne3A_333 : i1
        %or3A_337 = arith.constant false
        %or3A_338 = arith.ori %or3A_336, %or3A_337 : i1
        %or3A_339 = arith.ori %or3A_338, %eq3A_203 : i1
        %convert_element_type3A_340 = arith.extui %or3A_339 : i1 to i32
        %cond3A_341 = arith.constant 0 : i32
        %cond3A_342 = arith.cmpi ne, %convert_element_type3A_340, %cond3A_341 : i32
        scf.if %cond3A_342 {
          "tpu.trace_start"() <{level = 10 : i32, message = "ep_copy_out"}> : () -> ()
          %rem3A_407 = arith.constant 2 : i32
          %rem3A_408 = arith.remui %scan3A_196, %rem3A_407 : i32
          %mul3A_409 = arith.constant 1 : i32
          %mul3A_410 = arith.muli %mul3A_409, %add3A_204 : i32
          %mul3A_411 = arith.constant 64 : i32
          %mul3A_412 = arith.muli %mul3A_411, %add3A_206 : i32
          %dma_start3A_413 = arith.constant 0 : i32
          %dma_start3A_414 = arith.constant 0 : i32
          %dma_start3A_415 = arith.constant 0 : i32
          %dma_start3A_416 = tpu.memref_slice %run_scoped3A_8[%rem3A_408, %dma_start3A_413, %dma_start3A_414, %dma_start3A_415] : memref<2x1x64x384xf32, #tpu.memory_space<vmem>> -> memref<1x1x64x384xf32, #tpu.memory_space<vmem>>
          %dma_start3A_417 = tpu.memref_squeeze %dma_start3A_416 : memref<1x1x64x384xf32, #tpu.memory_space<vmem>> -> memref<1x64x384xf32, #tpu.memory_space<vmem>>
          %dma_start3A_418 = arith.constant 0 : i32
          %dma_start3A_419 = tpu.memref_slice %arg6[%mul3A_410, %mul3A_412, %dma_start3A_418] : memref<384x384x384xf32, #tpu.memory_space<hbm>> -> memref<1x64x384xf32, #tpu.memory_space<hbm>>
          %dma_start3A_420 = tpu.memref_slice %run_scoped3A_9[%rem3A_408] : memref<2x!tpu.dma_semaphore, #tpu.memory_space<semaphore_mem>> -> memref<1x!tpu.dma_semaphore, #tpu.memory_space<semaphore_mem>>
          %dma_start3A_421 = tpu.memref_squeeze %dma_start3A_420 : memref<1x!tpu.dma_semaphore, #tpu.memory_space<semaphore_mem>> -> memref<!tpu.dma_semaphore, #tpu.memory_space<semaphore_mem>>
          %dma_start3A_422 = arith.constant 0 : i32
          %dma_start3A_423 = tpu.memref_slice %arg6[%mul3A_410, %mul3A_412, %dma_start3A_422] : memref<384x384x384xf32, #tpu.memory_space<hbm>> -> memref<1x64x384xf32, #tpu.memory_space<hbm>>
          %dma_start3A_424 = arith.constant 0 : i32
          %dma_start3A_425 = arith.constant 0 : i32
          %dma_start3A_426 = arith.constant 0 : i32
          %dma_start3A_427 = tpu.memref_slice %run_scoped3A_8[%rem3A_408, %dma_start3A_424, %dma_start3A_425, %dma_start3A_426] : memref<2x1x64x384xf32, #tpu.memory_space<vmem>> -> memref<1x1x64x384xf32, #tpu.memory_space<vmem>>
          %dma_start3A_428 = tpu.memref_squeeze %dma_start3A_427 : memref<1x1x64x384xf32, #tpu.memory_space<vmem>> -> memref<1x64x384xf32, #tpu.memory_space<vmem>>
          tpu.enqueue_dma source(%dma_start3A_428 : memref<1x64x384xf32, #tpu.memory_space<vmem>>) target(%dma_start3A_423 : memref<1x64x384xf32, #tpu.memory_space<hbm>>) target_semaphore(%dma_start3A_421 : memref<!tpu.dma_semaphore, #tpu.memory_space<semaphore_mem>>)
          "tpu.trace_stop"() : () -> ()
        } else {
        }
        %and3A_343 = arith.constant true
        %and3A_344 = arith.andi %or3A_339, %and3A_343 : i1
        %add3A_345 = arith.constant 1 : i32
        %add3A_346 = arith.addi %scan3A_196, %add3A_345 : i32
        %select_n3A_347 = arith.select %and3A_344, %add3A_346, %scan3A_196 : i32
        %ne3A_348 = arith.cmpi ne, %add3A_204, %add3A_222 : i32
        %ne3A_349 = arith.cmpi ne, %add3A_206, %add3A_224 : i32
        %or3A_350 = arith.constant false
        %or3A_351 = arith.ori %or3A_350, %ne3A_348 : i1
        %or3A_352 = arith.ori %or3A_351, %ne3A_349 : i1
        %or3A_353 = arith.constant false
        %or3A_354 = arith.ori %or3A_352, %or3A_353 : i1
        %not3A_355 = arith.constant true
        %not3A_356 = arith.xori %eq3A_201, %not3A_355 : i1
        %and3A_357 = arith.andi %or3A_354, %not3A_356 : i1
        %convert_element_type3A_358 = arith.extui %and3A_357 : i1 to i32
        %cond3A_359 = arith.constant 0 : i32
        %cond3A_360 = arith.cmpi ne, %convert_element_type3A_358, %cond3A_359 : i32
        scf.if %cond3A_360 {
        } else {
        }
        %and3A_361 = arith.constant false
        %and3A_362 = arith.andi %and3A_357, %and3A_361 : i1
        %ne3A_363 = arith.cmpi ne, %add3A_204, %add3A_222 : i32
        %ne3A_364 = arith.cmpi ne, %add3A_206, %add3A_224 : i32
        %or3A_365 = arith.constant false
        %or3A_366 = arith.ori %or3A_365, %ne3A_363 : i1
        %or3A_367 = arith.ori %or3A_366, %ne3A_364 : i1
        %or3A_368 = arith.constant false
        %or3A_369 = arith.ori %or3A_367, %or3A_368 : i1
        %not3A_370 = arith.constant true
        %not3A_371 = arith.xori %eq3A_201, %not3A_370 : i1
        %and3A_372 = arith.andi %or3A_369, %not3A_371 : i1
        %convert_element_type3A_373 = arith.extui %and3A_372 : i1 to i32
        %cond3A_374 = arith.constant 0 : i32
        %cond3A_375 = arith.cmpi ne, %convert_element_type3A_373, %cond3A_374 : i32
        scf.if %cond3A_375 {
          "tpu.trace_start"() <{level = 10 : i32, message = "ep_wait_out"}> : () -> ()
          %rem3A_407 = arith.constant 2 : i32
          %rem3A_408 = arith.remui %scan3A_197, %rem3A_407 : i32
          %mul3A_409 = arith.constant 1 : i32
          %mul3A_410 = arith.muli %mul3A_409, %add3A_222 : i32
          %mul3A_411 = arith.constant 64 : i32
          %mul3A_412 = arith.muli %mul3A_411, %add3A_224 : i32
          %dma_wait3A_413 = arith.constant 0 : i32
          %dma_wait3A_414 = arith.constant 0 : i32
          %dma_wait3A_415 = arith.constant 0 : i32
          %dma_wait3A_416 = tpu.memref_slice %run_scoped3A_8[%rem3A_408, %dma_wait3A_413, %dma_wait3A_414, %dma_wait3A_415] : memref<2x1x64x384xf32, #tpu.memory_space<vmem>> -> memref<1x1x64x384xf32, #tpu.memory_space<vmem>>
          %dma_wait3A_417 = tpu.memref_squeeze %dma_wait3A_416 : memref<1x1x64x384xf32, #tpu.memory_space<vmem>> -> memref<1x64x384xf32, #tpu.memory_space<vmem>>
          %dma_wait3A_418 = arith.constant 0 : i32
          %dma_wait3A_419 = tpu.memref_slice %arg6[%mul3A_410, %mul3A_412, %dma_wait3A_418] : memref<384x384x384xf32, #tpu.memory_space<hbm>> -> memref<1x64x384xf32, #tpu.memory_space<hbm>>
          %dma_wait3A_420 = tpu.memref_slice %run_scoped3A_9[%rem3A_408] : memref<2x!tpu.dma_semaphore, #tpu.memory_space<semaphore_mem>> -> memref<1x!tpu.dma_semaphore, #tpu.memory_space<semaphore_mem>>
          %dma_wait3A_421 = tpu.memref_squeeze %dma_wait3A_420 : memref<1x!tpu.dma_semaphore, #tpu.memory_space<semaphore_mem>> -> memref<!tpu.dma_semaphore, #tpu.memory_space<semaphore_mem>>
          %dma_wait3A_422 = arith.constant 0 : i32
          %dma_wait3A_423 = tpu.memref_slice %arg6[%mul3A_410, %mul3A_412, %dma_wait3A_422] : memref<384x384x384xf32, #tpu.memory_space<hbm>> -> memref<1x64x384xf32, #tpu.memory_space<hbm>>
          %dma_wait3A_424 = arith.constant 0 : i32
          %dma_wait3A_425 = arith.constant 0 : i32
          %dma_wait3A_426 = arith.constant 0 : i32
          %dma_wait3A_427 = tpu.memref_slice %run_scoped3A_8[%rem3A_408, %dma_wait3A_424, %dma_wait3A_425, %dma_wait3A_426] : memref<2x1x64x384xf32, #tpu.memory_space<vmem>> -> memref<1x1x64x384xf32, #tpu.memory_space<vmem>>
          %dma_wait3A_428 = tpu.memref_squeeze %dma_wait3A_427 : memref<1x1x64x384xf32, #tpu.memory_space<vmem>> -> memref<1x64x384xf32, #tpu.memory_space<vmem>>
          tpu.wait_dma2 semaphore(%dma_wait3A_421 : memref<!tpu.dma_semaphore, #tpu.memory_space<semaphore_mem>>) src(%dma_wait3A_428 : memref<1x64x384xf32, #tpu.memory_space<vmem>>) dst(%dma_wait3A_423 : memref<1x64x384xf32, #tpu.memory_space<hbm>>)
          "tpu.trace_stop"() : () -> ()
        } else {
        }
        %and3A_376 = arith.constant true
        %and3A_377 = arith.andi %and3A_372, %and3A_376 : i1
        %add3A_378 = arith.constant 1 : i32
        %add3A_379 = arith.addi %scan3A_197, %add3A_378 : i32
        %select_n3A_380 = arith.select %and3A_377, %add3A_379, %scan3A_197 : i32
        %ne3A_381 = arith.cmpi ne, %add3A_204, %add3A_240 : i32
        %ne3A_382 = arith.cmpi ne, %add3A_206, %add3A_242 : i32
        %or3A_383 = arith.constant false
        %or3A_384 = arith.ori %or3A_383, %ne3A_381 : i1
        %or3A_385 = arith.ori %or3A_384, %ne3A_382 : i1
        %or3A_386 = arith.constant false
        %or3A_387 = arith.ori %or3A_385, %or3A_386 : i1
        %or3A_388 = arith.ori %or3A_387, %eq3A_203 : i1
        %add3A_389 = arith.constant 1 : i32
        %add3A_390 = arith.addi %scan3A_195, %add3A_389 : i32
        %select_n3A_391 = arith.select %or3A_388, %add3A_390, %scan3A_195 : i32
        %add3A_392 = arith.constant 1 : i32
        %add3A_393 = arith.addi %scan3A_199, %add3A_392 : i32
        %select_n3A_394 = arith.constant true
        %select_n3A_395 = arith.select %select_n3A_394, %add3A_393, %scan3A_199 : i32
        %eq3A_396 = arith.constant 6 : i32
        %eq3A_397 = arith.cmpi eq, %select_n3A_395, %eq3A_396 : i32
        %select_n3A_398 = arith.constant 0 : i32
        %select_n3A_399 = arith.select %eq3A_397, %select_n3A_398, %select_n3A_395 : i32
        %add3A_400 = arith.constant 1 : i32
        %add3A_401 = arith.addi %scan3A_198, %add3A_400 : i32
        %select_n3A_402 = arith.select %eq3A_397, %add3A_401, %scan3A_198 : i32
        %eq3A_403 = arith.constant 12 : i32
        %eq3A_404 = arith.cmpi eq, %select_n3A_402, %eq3A_403 : i32
        %select_n3A_405 = arith.constant 0 : i32
        %select_n3A_406 = arith.select %eq3A_404, %select_n3A_405, %select_n3A_402 : i32
        scf.yield %select_n3A_273, %select_n3A_391, %select_n3A_347, %select_n3A_380, %select_n3A_406, %select_n3A_399 : i32, i32, i32, i32, i32, i32
      }
      %scan3A_100 = arith.constant 72 : i32
      %sub3A = arith.constant 1 : i32
      %sub3A_101 = arith.subi %scan3A_99#5, %sub3A : i32
      %select_n3A_102 = arith.constant true
      %select_n3A_103 = arith.select %select_n3A_102, %sub3A_101, %scan3A_99#5 : i32
      %eq3A_104 = arith.constant -1 : i32
      %eq3A_105 = arith.cmpi eq, %select_n3A_103, %eq3A_104 : i32
      %select_n3A_106 = arith.constant 5 : i32
      %select_n3A_107 = arith.select %eq3A_105, %select_n3A_106, %select_n3A_103 : i32
      %sub3A_108 = arith.constant 1 : i32
      %sub3A_109 = arith.subi %scan3A_99#4, %sub3A_108 : i32
      %select_n3A_110 = arith.select %eq3A_105, %sub3A_109, %scan3A_99#4 : i32
      %eq3A_111 = arith.constant -1 : i32
      %eq3A_112 = arith.cmpi eq, %select_n3A_110, %eq3A_111 : i32
      %select_n3A_113 = arith.constant 11 : i32
      %select_n3A_114 = arith.select %eq3A_112, %select_n3A_113, %select_n3A_110 : i32
      %add3A_115 = arith.addi %select_n3A_114, %mul3A_6 : i32
      %add3A_116 = arith.constant 0 : i32
      %add3A_117 = arith.addi %select_n3A_107, %add3A_116 : i32
      %sub3A_118 = arith.constant 1 : i32
      %sub3A_119 = arith.subi %select_n3A_107, %sub3A_118 : i32
      %select_n3A_120 = arith.constant true
      %select_n3A_121 = arith.select %select_n3A_120, %sub3A_119, %select_n3A_107 : i32
      %eq3A_122 = arith.constant -1 : i32
      %eq3A_123 = arith.cmpi eq, %select_n3A_121, %eq3A_122 : i32
      %select_n3A_124 = arith.constant 5 : i32
      %select_n3A_125 = arith.select %eq3A_123, %select_n3A_124, %select_n3A_121 : i32
      %sub3A_126 = arith.constant 1 : i32
      %sub3A_127 = arith.subi %select_n3A_114, %sub3A_126 : i32
      %select_n3A_128 = arith.select %eq3A_123, %sub3A_127, %select_n3A_114 : i32
      %eq3A_129 = arith.constant -1 : i32
      %eq3A_130 = arith.cmpi eq, %select_n3A_128, %eq3A_129 : i32
      %select_n3A_131 = arith.constant 11 : i32
      %select_n3A_132 = arith.select %eq3A_130, %select_n3A_131, %select_n3A_128 : i32
      %add3A_133 = arith.addi %select_n3A_132, %mul3A_6 : i32
      %add3A_134 = arith.constant 0 : i32
      %add3A_135 = arith.addi %select_n3A_125, %add3A_134 : i32
      %add3A_136 = arith.constant 1 : i32
      %add3A_137 = arith.addi %select_n3A_107, %add3A_136 : i32
      %select_n3A_138 = arith.constant true
      %select_n3A_139 = arith.select %select_n3A_138, %add3A_137, %select_n3A_107 : i32
      %eq3A_140 = arith.constant 6 : i32
      %eq3A_141 = arith.cmpi eq, %select_n3A_139, %eq3A_140 : i32
      %select_n3A_142 = arith.constant 0 : i32
      %select_n3A_143 = arith.select %eq3A_141, %select_n3A_142, %select_n3A_139 : i32
      %add3A_144 = arith.constant 1 : i32
      %add3A_145 = arith.addi %select_n3A_114, %add3A_144 : i32
      %select_n3A_146 = arith.select %eq3A_141, %add3A_145, %select_n3A_114 : i32
      %eq3A_147 = arith.constant 12 : i32
      %eq3A_148 = arith.cmpi eq, %select_n3A_146, %eq3A_147 : i32
      %select_n3A_149 = arith.constant 0 : i32
      %select_n3A_150 = arith.select %eq3A_148, %select_n3A_149, %select_n3A_146 : i32
      %add3A_151 = arith.addi %select_n3A_150, %mul3A_6 : i32
      %add3A_152 = arith.constant 0 : i32
      %add3A_153 = arith.addi %select_n3A_143, %add3A_152 : i32
      %add3A_154 = arith.constant 1 : i32
      %add3A_155 = arith.addi %select_n3A_143, %add3A_154 : i32
      %select_n3A_156 = arith.constant true
      %select_n3A_157 = arith.select %select_n3A_156, %add3A_155, %select_n3A_143 : i32
      %eq3A_158 = arith.constant 6 : i32
      %eq3A_159 = arith.cmpi eq, %select_n3A_157, %eq3A_158 : i32
      %select_n3A_160 = arith.constant 0 : i32
      %select_n3A_161 = arith.select %eq3A_159, %select_n3A_160, %select_n3A_157 : i32
      %add3A_162 = arith.constant 1 : i32
      %add3A_163 = arith.addi %select_n3A_150, %add3A_162 : i32
      %select_n3A_164 = arith.select %eq3A_159, %add3A_163, %select_n3A_150 : i32
      %eq3A_165 = arith.constant 12 : i32
      %eq3A_166 = arith.cmpi eq, %select_n3A_164, %eq3A_165 : i32
      %select_n3A_167 = arith.constant 0 : i32
      %select_n3A_168 = arith.select %eq3A_166, %select_n3A_167, %select_n3A_164 : i32
      %add3A_169 = arith.addi %select_n3A_168, %mul3A_6 : i32
      %add3A_170 = arith.constant 0 : i32
      %add3A_171 = arith.addi %select_n3A_161, %add3A_170 : i32
      "tpu.trace_start"() <{level = 10 : i32, message = "ep_finalize"}> : () -> ()
      %rem3A_172 = arith.constant 2 : i32
      %rem3A_173 = arith.remui %scan3A_99#3, %rem3A_172 : i32
      %mul3A_174 = arith.constant 1 : i32
      %mul3A_175 = arith.muli %mul3A_174, %add3A_115 : i32
      %mul3A_176 = arith.constant 64 : i32
      %mul3A_177 = arith.muli %mul3A_176, %add3A_117 : i32
      %dma_wait3A = arith.constant 0 : i32
      %dma_wait3A_178 = arith.constant 0 : i32
      %dma_wait3A_179 = arith.constant 0 : i32
      %dma_wait3A_180 = tpu.memref_slice %run_scoped3A_8[%rem3A_173, %dma_wait3A, %dma_wait3A_178, %dma_wait3A_179] : memref<2x1x64x384xf32, #tpu.memory_space<vmem>> -> memref<1x1x64x384xf32, #tpu.memory_space<vmem>>
      %dma_wait3A_181 = tpu.memref_squeeze %dma_wait3A_180 : memref<1x1x64x384xf32, #tpu.memory_space<vmem>> -> memref<1x64x384xf32, #tpu.memory_space<vmem>>
      %dma_wait3A_182 = arith.constant 0 : i32
      %dma_wait3A_183 = tpu.memref_slice %arg6[%mul3A_175, %mul3A_177, %dma_wait3A_182] : memref<384x384x384xf32, #tpu.memory_space<hbm>> -> memref<1x64x384xf32, #tpu.memory_space<hbm>>
      %dma_wait3A_184 = tpu.memref_slice %run_scoped3A_9[%rem3A_173] : memref<2x!tpu.dma_semaphore, #tpu.memory_space<semaphore_mem>> -> memref<1x!tpu.dma_semaphore, #tpu.memory_space<semaphore_mem>>
      %dma_wait3A_185 = tpu.memref_squeeze %dma_wait3A_184 : memref<1x!tpu.dma_semaphore, #tpu.memory_space<semaphore_mem>> -> memref<!tpu.dma_semaphore, #tpu.memory_space<semaphore_mem>>
      %dma_wait3A_186 = arith.constant 0 : i32
      %dma_wait3A_187 = tpu.memref_slice %arg6[%mul3A_175, %mul3A_177, %dma_wait3A_186] : memref<384x384x384xf32, #tpu.memory_space<hbm>> -> memref<1x64x384xf32, #tpu.memory_space<hbm>>
      %dma_wait3A_188 = arith.constant 0 : i32
      %dma_wait3A_189 = arith.constant 0 : i32
      %dma_wait3A_190 = arith.constant 0 : i32
      %dma_wait3A_191 = tpu.memref_slice %run_scoped3A_8[%rem3A_173, %dma_wait3A_188, %dma_wait3A_189, %dma_wait3A_190] : memref<2x1x64x384xf32, #tpu.memory_space<vmem>> -> memref<1x1x64x384xf32, #tpu.memory_space<vmem>>
      %dma_wait3A_192 = tpu.memref_squeeze %dma_wait3A_191 : memref<1x1x64x384xf32, #tpu.memory_space<vmem>> -> memref<1x64x384xf32, #tpu.memory_space<vmem>>
      tpu.wait_dma2 semaphore(%dma_wait3A_185 : memref<!tpu.dma_semaphore, #tpu.memory_space<semaphore_mem>>) src(%dma_wait3A_192 : memref<1x64x384xf32, #tpu.memory_space<vmem>>) dst(%dma_wait3A_187 : memref<1x64x384xf32, #tpu.memory_space<hbm>>)
      "tpu.trace_stop"() : () -> ()
      tpu.yield
    }) : () -> ()
    return
  }
}

</mosaic_0001>

<sc_bundles>
// kernel: kernel.3.cloned.1.call-start
scs
__scs_entry_jumppad:
0x0: {  	(pc) =	sbr.rel $0x88, $3  }
0x1: {  	(tag) =	ssettag $0x0;
	lr =	simm.s32 $0x1  }
0x2: {  	[smem:$0x3F9E] =	sst lr;
	_ =	strace $0xD0000000  }
0x3: {  	_ = 	snop  }
0x4: {  	_ = 	snop  }
0x5: {  	_ = 	snop  }
0x6: {  	_ = 	snop  }
0x7: {  	_ = 	snop  }
__scs_overlays_trampoline_lowered:
0x8: {  	[smem:$0x3FAD] =	sst s0  }
0x9: {  	[smem:$0x3FAE] =	sst s1  }
0xa: {  	[smem:$0x3FAF] =	sst s2  }
0xb: {  	[smem:$0x3FB0] =	sst s3  }
0xc: {  	[smem:$0x3FB1] =	sst s4  }
0xd: {  	[smem:$0x3FB2] =	sst s5  }
0xe: {  	[smem:$0x3FB3] =	sst s6  }
0xf: {  	[smem:$0x3FB4] =	sst s7  }
0x10: {  	[smem:$0x3FB5] =	sst s8  }
0x11: {  	[smem:$0x3FB6] =	sst s9;
	s0 =	simm.s32 @!p0 $0x0  }
0x12: {  	s1 =	sld [smem:$0x3F9C];
	s0 =	simm.s32 @p0 $0x1  }
0x13: {  	[smem:$0x3FB7] =	sst s0;
	s0 =	simm.s32 @!p1 $0x0  }
0x14: {  	s2 =	sld [smem:$0x3F9B];
	s0 =	simm.s32 @p1 $0x1  }
0x15: {  	[smem:$0x3FB8] =	sst s0;
	s0 =	simm.s32 @!p2 $0x0  }
0x16: {  	s3 =	sld [smem:$0x3FDB];
	s0 =	simm.s32 @p2 $0x1  }
0x17: {  	s4 =	simm.s32 $0x1BF5;
	[smem:$0x3FBA] =	sst s0  }
0x18: {  	s0 =	sld [smem:$0x3F9D];
	_ =	swait.ge [sflag:s4], $0x0  }
0x19: {  	s7 =	sld [smem:$0x3F9E]  }
0x1a: {  	s8 =	sadd.s32 $0xFFFFE003, lr  }
0x1b: {  	s9 =	sadd.s32 $0xFFFFFEF7, lr;
	s5 =	simm.s32 $0xFFFFFFFF;
	p2 =	slt.u32 s8, $0xFFFFF086  }
0x1c: {  	p1 =	slt.u32 s9, $0xF7A;
	s5 =	simm.s32 @!p2 $0x0  }
0x1d: {  	s5 =	simm.s32 @p1 $0x1;
	p0 =	seq.s32 s7, s2  }
0x1e: {  	s7 =	smul.u32 @!p0 $0xF7A, s2;
	p2 =	seq.s32 @!p0 s5, $0x0  }
0x1f: {  	s9 =	smul.u32 $0xF7A, s1;
	s8 =	simm.s32 @!p0 $0x1BF5;
	p2 =	por !p2, p0  }
0x20: {  	[sflag:s8] =	ssyncset.s32 @!p0 $0xFFFFF086;
	s6 =	sadd.s32 @!p0 s3, s7;
	s7 =	simm.s32 @!p0 $0x108  }
0x21: {  	s3 =	sadd.s32 s3, s9;
	s6 =	sadd.s32 @!p0 $0x88, s6;
	s7 =	simm.s32 @p2 $0x1082  }
0x22: {  	[simem:s7], [sflag:s8] =	dma.local @!p0 [hbm:s6], $0xF7A  }
0x23: {  	s9 =	sor.u32 $0xD0000000, s2;
	s6 =	simm.s32 $0x108;
	_ =	swait.ge @!p0 [sflag:s8], $0x0  }
0x24: {  	s3 =	sadd.s32 $0x88, s3;
	s6 =	simm.s32 @!p1 $0x1082;
	[sflag:s4] =	ssyncset.s32 $0xFFFFF086  }
0x25: {  	[simem:s6], [sflag:s4] =	dma.local [hbm:s3], $0xF7A  }
0x26: {  	[smem:$0x3F9E] =	sst s1;
	(tag) =	ssettag s2;
	_ =	strace s9  }
0x27: {  	s1 =	sld [smem:$0x3FAE]  }
0x28: {  	s2 =	sld [smem:$0x3FAF]  }
0x29: {  	s4 =	sld [smem:$0x3FB1]  }
0x2a: {  	p0 =	seq.s32 s5, $0x0;
	s5 =	sld [smem:$0x3FB2]  }
0x2b: {  	s6 =	sld [smem:$0x3FB3]  }
0x2c: {  	s7 =	sld [smem:$0x3FB4]  }
0x2d: {  	s3 =	simm.s32 $0x108;
	s8 =	sld [smem:$0x3FB5]  }
0x2e: {  	s3 =	simm.s32 @!p0 $0x1082;
	s9 =	sld [smem:$0x3FB6]  }
0x2f: {  	lr =	sadd.s32 s0, s3;
	s0 =	sld [smem:$0x3FAD]  }
0x30: {  	s3 =	sld [smem:$0x3FB0]  }
0x31: {  	[smem:$0x3FB9] =	sst s10  }
0x32: {  	s10 =	sld [smem:$0x3FB7];
	_ =	sdelay $0x3  }
0x33: {  	p0 =	seq.s32 s10, $0x1;
	s10 =	sld [smem:$0x3FB9];
	_ =	sdelay $0x3  }
0x34: {  	[smem:$0x3FB9] =	sst s10  }
0x35: {  	s10 =	sld [smem:$0x3FB8];
	_ =	sdelay $0x3  }
0x36: {  	p1 =	seq.s32 s10, $0x1;
	s10 =	sld [smem:$0x3FB9];
	_ =	sdelay $0x3  }
0x37: {  	[smem:$0x3FB9] =	sst s10  }
0x38: {  	s10 =	sld [smem:$0x3FBA]  }
0x39: {  	_ = 	snop;
	(pc) =	sbr.ind lr, $3  }
0x3a: {  	_ = 	snop  }
0x3b: {  	_ = 	snop  }
0x3c: {  	p2 =	seq.s32 s10, $0x1;
	s10 =	sld [smem:$0x3FB9]  }
0x3d: {  	_ =	shalt  }
0x3e: {  	_ =	shalt  }
0x3f: {  	_ =	shalt  }
0x40: {  	_ =	shalt  }
0x41: {  	_ =	shalt  }
0x42: {  	_ =	shalt  }
0x43: {  	_ =	shalt  }
0x44: {  	_ =	shalt  }
0x45: {  	_ =	shalt  }
0x46: {  	_ =	shalt  }
0x47: {  	_ =	shalt  }
0x48: {  	_ =	shalt  }
0x49: {  	_ =	shalt  }
0x4a: {  	_ =	shalt  }
0x4b: {  	_ =	shalt  }
0x4c: {  	_ =	shalt  }
0x4d: {  	_ =	shalt  }
0x4e: {  	_ =	shalt  }
0x4f: {  	_ =	shalt  }
0x50: {  	_ =	shalt  }
0x51: {  	_ =	shalt  }
0x52: {  	_ =	shalt  }
0x53: {  	_ =	shalt  }
0x54: {  	_ =	shalt  }
0x55: {  	_ =	shalt  }
0x56: {  	_ =	shalt  }
0x57: {  	_ =	shalt  }
0x58: {  	_ =	shalt  }
0x59: {  	_ =	shalt  }
0x5a: {  	_ =	shalt  }
0x5b: {  	_ =	shalt  }
0x5c: {  	_ =	shalt  }
0x5d: {  	_ =	shalt  }
0x5e: {  	_ =	shalt  }
0x5f: {  	_ =	shalt  }
0x60: {  	_ =	shalt  }
0x61: {  	_ =	shalt  }
0x62: {  	_ =	shalt  }
0x63: {  	_ =	shalt  }
0x64: {  	_ =	shalt  }
0x65: {  	_ =	shalt  }
0x66: {  	_ =	shalt  }
0x67: {  	_ =	shalt  }
0x68: {  	_ =	shalt  }
0x69: {  	_ =	shalt  }
0x6a: {  	_ =	shalt  }
0x6b: {  	_ =	shalt  }
0x6c: {  	_ =	shalt  }
0x6d: {  	_ =	shalt  }
0x6e: {  	_ =	shalt  }
0x6f: {  	_ =	shalt  }
0x70: {  	_ =	shalt  }
0x71: {  	_ =	shalt  }
0x72: {  	_ =	shalt  }
0x73: {  	_ =	shalt  }
0x74: {  	_ =	shalt  }
0x75: {  	_ =	shalt  }
0x76: {  	_ =	shalt  }
0x77: {  	_ =	shalt  }
0x78: {  	_ =	shalt  }
0x79: {  	_ =	shalt  }
0x7a: {  	_ =	shalt  }
0x7b: {  	_ =	shalt  }
0x7c: {  	_ =	shalt  }
0x7d: {  	_ =	shalt  }
0x7e: {  	_ =	shalt  }
0x7f: {  	_ =	shalt  }
0x80: {  	_ =	shalt  }
0x81: {  	_ =	shalt  }
0x82: {  	_ =	shalt  }
0x83: {  	_ =	shalt  }
0x84: {  	_ =	shalt  }
0x85: {  	_ =	shalt  }
0x86: {  	_ =	shalt  }
0x87: {  	_ =	shalt  }
.Lfunc_end0:
.L_simem_size_0:
called_computation_lowered:
.L_overlay_start_0:
0x88: {  	s2 =	sld [smem:$0x3FD9]  }
0x89: {  	s3 =	sld [smem:$0x3FFE];
	_ =	sdelay $0x1  }
0x8a: {  	s1 =	srdreg.scid  }
0x8b: {  	s0 =	sand.u32 $0x1, s1  }
0x8c: {  	s17 =	sshll.u32 s0, $0xA;
	s2 =	sadd.s32 s3, s2  }
0x8d: {  	s2 =	sadd.s32 s2, s17  }
0x8e: {  	[smem:$0x3FC5] =	sst s2  }
0x8f: {  	_ = 	snop  }
0x90: {  	s2 =	sld [smem:$0x3FC9]  }
0x91: {  	s18 =	sld [smem:$0x3FD0];
	(tm) =	ssettm $0x1  }
0x92: {  	s4 =	sld [smem:$0x3FFB];
	_ =	sdelay $0x3  }
0x93: {  	_ =	strace s4  }
0x94: {  	s4 =	sld [smem:$0x3FFC];
	_ =	sdelay $0x3  }
0x95: {  	_ =	strace s4  }
0x96: {  	s4 =	sld [smem:$0x3FFD];
	_ =	sdelay $0x3  }
0x97: {  	_ =	strace s4  }
0x98: {  	_ =	strace $0x8FFFFFFF  }
0x99: {  	s19 =	sld [smem:$0x3FDB];
	_ =	sdelay $0x1  }
0x9a: {  	s5 =	simm.s32 $_scs_section_size  }
0x9b: {  	s6 =	simm.s32 $_size__tile_overlayer_lowered;
	s7 =	simm.s32 $_tile_overlayer_lowered  }
0x9c: {  	s22 =	simm.s32 $0x1BFF;
	s21 =	sshll.u32 s7, $0x1;
	s4 =	sadd.s32 s5, s19  }
0x9d: {  	s8 =	simm.s32 $0x0;
	s20 =	sshll.u32 s6, $0x1;
	s6 =	sadd.s32 s21, s4  }
0x9e: {  	[timem:s8], [sflag:s22] =	dma.local [hbm:s6], s20  }
0x9f: {  	_ =	swait.ge [sflag:s22], s20  }
0xa0: {  	s5 =	ssub.s32 $0x0, s20;
	[sflag:s22] =	ssyncset.done $0x0  }
0xa1: {  	[sflag:s22] =	ssyncadd.s32 s5;
	_ =	sdelay $0x1  }
0xa2: {  	s23 =	simm.s32 $0x1B8B  }
0xa3: {  	_ =	swait.ge [sflag:s23], $0x1  }
0xa4: {  	[sflag:s23] =	ssyncset.done $0x0  }
0xa5: {  	s25 =	simm.s32 $0x1B8E;
	s24 =	sld [smem:$0x3FFE];
	[sflag:s23] =	ssyncadd.s32 $0xFFFFFFFF  }
0xa6: {  	s26 =	simm.s32 $execute0_lowered;
	[smem:$0x3FD2] =	sst s25  }
0xa7: {  	s6 =	sshll.u32 s26, $0x1;
	_ =	strace $0x80000046;
	[dreg:$0x1] =	wrdreg $0xFFFFFFFF  }
0xa8: {  	s28 =	simm.s32 $_size_execute0_lowered;
	s4 =	sadd.s32 s4, s6;
	[dreg:$0x0] =	wrdreg $0x0  }
0xa9: {  	s6 =	sshll.u32 s28, $0x1;
	[dreg:$0x2] =	wrdreg s4  }
0xaa: {  	[dreg:$0x3] =	wrdreg s6  }
0xab: {  	[dreg:$0x4] =	wrdreg $0xC0  }
0xac: {  	_ =	task [dreg:s8], $0x5FFFF  }
0xad: {  	[dreg:$0x1] =	wrdreg $0xFFFFFFFF  }
0xae: {  	[dreg:$0x0] =	wrdreg $0x60  }
0xaf: {  	[dreg:$0x2] =	wrdreg s2  }
0xb0: {  	[dreg:$0x3] =	wrdreg s24  }
0xb1: {  	[dreg:$0x4] =	wrdreg s18  }
0xb2: {  	[dreg:$0x5] =	wrdreg $0x9  }
0xb3: {  	_ =	task.clear_ibuf [dreg:s8], $0x6FFFF;
	_ =	strace $0x90000046  }
0xb4: {  	s29 =	simm.s32 $0x9;
	_ =	strace $0x8000004F  }
0xb5: {  	_ =	swait.ge [sflag:s29], $0x1  }
0xb6: {  	[sflag:s29] =	ssyncadd.s32 $0xFFFFFFFF  }
0xb7: {  	_ =	strace $0x9000004F  }
0xb8: {  	_ =	sfence  }
0xb9: {  	s30 =	sld [smem:$0x0];
	_ =	sdelay $0x2  }
0xba: {  	s31 =	sshll.u32 s1, $0xD;
	s1 =	sshrl.u32 s1, $0x2  }
0xbb: {  	s3 =	sand.u32 $0x4000, s31;
	s1 =	sadd.s32 s1, s30  }
0xbc: {  	s0 =	sor.u32 s3, s0;
	s1 =	sshll.u32 s1, $0x11  }
0xbd: {  	s0 =	sor.u32 s1, s0  }
0xbe: {  	s0 =	sadd.s32 $0x8F2B, s0  }
0xbf: {  	[sflag:s0] =	ssyncadd.remote.s32 $0x1  }
0xc0: {  	_ =	sfence.sel $0xFFFF  }
0xc1: {  	[dreg:$0x0] =	wrdreg $0xFFFFFFFF;
	(pc) =	sbr.abs _section_cstart, $3  }
0xc2: {  	[dreg:$0x1] =	wrdreg $0xFFFFFFFF  }
0xc3: {  	_ =	task.clear_ibuf [dreg:s8], $0x2FFFF;
	_ =	strace $0x9FFFFFFF  }
0xc4: {  	(tm) =	ssettm $0x7FFFFFFF  }
0xc5: {  	_ =	shalt  }
tec
execute0_lowered:
.L_overlay_start_1:
0x0: {  	(tag) =	ssettag $0x1  }
0x1: {  	s5 =	rddreg [dreg:$0x0]  }
0x2: {  	s0 =	rddreg [dreg:$0x1];
	s1 =	srdreg.scid  }
0x3: {  	s26 =	simm.s32 $0x0;
	s3 =	stileid.u32;
	s1 =	sand.u32 $0x1, s1  }
0x4: {  	[smem:$0x7FF] =	sst s26;
	s25 =	sadd.s32 $0x800, s0;
	s6 =	sadd.s32 $0xC00, s0  }
0x5: {  	s0 =	sadd.s32 $0x600, s0;
	s2 =	sshll.u32 s1, $0x4;
	_ =	strace $0x80000047  }
0x6: {  	s1 =	ssub.s32 $0x2, s1;
	[dreg:$0xe] =	wrdreg s25;
	s2 =	sor.u32 s3, s2  }
0x7: {  	[dreg:$0xf] =	wrdreg s6;
	s28 =	sshrl.u32 s1, $0x1;
	s30 =	smul.u32 $0xC, s2  }
0x8: {  	[dreg:$0x10] =	wrdreg s0;
	s4 =	smul.u32 $0x36000, s2;
	s29 =	ssub.s32 s1, s28  }
0x9: {  	s0 =	smax.u32 s29, $0x1;
	[dreg:$0x11] =	wrdreg s30  }
0xa: {  	s31 =	sadd.s32 s5, s4;
	[dreg:$0x13] =	wrdreg s0  }
0xb: {  	s24 =	simm.s32 $0x1380;
	s1 =	simm.s32 $0x0;
	[dreg:$0x12] =	wrdreg s31  }
.LBB2_1:
0xc: {  	[dreg:$0x14] =	wrdreg s1  }
0xd: {  	s0 =	rddreg [dreg:$0xe];
	s2 =	simm.s32 $0x1  }
0xe: {  	[tilespmem:s26], [sflag:$0x1] =	stream.linear.gather [hbm4b:s0+s26], $0x1380, $0x38;
	[tilespmem:$0x1A780] =	vst v63  }
0xf: {  	_ =	swait.ge [sflag:s2], $0x1380  }
0x10: {  	[sflag:s2] =	ssyncset.done $0x0  }
0x11: {  	s25 =	rddreg [dreg:$0xf];
	[sflag:s2] =	ssyncadd.s32 $0xFFFFEC80  }
0x12: {  	[tilespmem:s24], [sflag:$0x1] =	stream.linear.gather [hbm4b:s25+s26], $0x1380, $0x38;
	[tilespmem:$0x1A780] =	vst v63  }
0x13: {  	_ =	swait.ge [sflag:s2], $0x1380  }
0x14: {  	[sflag:s2] =	ssyncset.done $0x0  }
0x15: {  	s29 =	simm.s32 $0x2700;
	s28 =	rddreg [dreg:$0x10];
	[sflag:s2] =	ssyncadd.s32 $0xFFFFEC80  }
0x16: {  	[tilespmem:s29], [sflag:$0x1] =	stream.linear.gather [hbm4b:s28+s26], $0x80, $0x38;
	[tilespmem:$0x1A780] =	vst v63  }
0x17: {  	_ =	swait.ge [sflag:s2], $0x80  }
0x18: {  	[sflag:s2] =	ssyncset.done $0x0  }
0x19: {  	s31 =	simm.s32 $0x2780;
	s1 =	simm.s32 $0x0;
	[sflag:s2] =	ssyncadd.s32 $0xFFFFFF80  }
0x1a: {  	s3 =	simm.s32 $0x0;
	s6 =	simm.s32 $0x0;
	_ =	strace $0x80000048  }
0x1b: {  	s7 =	simm.s32 $0x0;
	s4 =	simm.s32 $0x1;
	s30 =	rddreg [dreg:$0x12]  }
0x1c: {  	[tilespmem:s31], [sflag:$0x1] =	stream.linear.gather [hbm4b:s30+s26], $0x6000, $0x200038;
	[tilespmem:$0x1A780] =	vst v63  }
0x1d: {  	s5 =	simm.s32 $0x0;
	s2 =	simm.s32 $0x0;
	_ =	strace $0x90000048  }
.LBB2_2:
0x1e: {  	s8 =	sadd.s32 $0x1, s2  }
0x1f: {  	s0 =	simm.s32 $0x1;
	p0 =	seq.s32 s8, $0x6  }
0x20: {  	s0 =	simm.s32 @!p0 $0x0  }
0x21: {  	s0 =	sadd.s32 s0, s1  }
0x22: {  	p1 =	seq.s32 s0, $0xC  }
0x23: {  	[dreg:$0x1c] =	wrdreg s2;
	s8 =	simm.s32 @p0 $0x0;
	s0 =	simm.s32 @p1 $0x0  }
0x24: {  	[dreg:$0x1a] =	wrdreg s5;
	p5 =	sne.s32 s2, s8;
	p4 =	sne.s32 s1, s0  }
0x25: {  	p6 =	sne.s32 s5, $0x47;
	s5 =	rddreg [dreg:$0x11];
	p1 =	por p5, p4  }
0x26: {  	[dreg:$0x19] =	wrdreg s4;
	s17 =	sadd.s32 s5, s1;
	p0 =	por !p6, !p1  }
0x27: {  	s18 =	smulhi.u32 $0x2AAAAAAB, s17;
	[dreg:$0x16] =	wrdreg s0;
	p0 =	por !p0, !p0  }
0x28: {  	s0 =	sadd.s32 @p0 s5, s0;
	s2 =	sand.u32 @p0 $0x1, s4;
	s4 =	smul.u32 @p0 $0x6000, s8  }
0x29: {  	[dreg:$0x15] =	wrdreg s3;
	s0 =	smul.u32 @p0 $0x24000, s0  }
0x2a: {  	[dreg:$0x1b] =	wrdreg s8;
	s3 =	smul.u32 @p0 $0x18000, s2  }
0x2b: {  	s19 =	sshra.s32 s17, $0x1F;
	_ =	strace @p0 $0x80000049;
	s2 =	sadd.s32 @p0 $0x1, s2  }
0x2c: {  	s1 =	sshrl.u32 @p0 s3, $0x2;
	s0 =	sadd.s32 @p0 s4, s0;
	s4 =	smul.u32 $0x2AAAAAAB, s19  }
0x2d: {  	s5 =	rddreg [dreg:$0x0];
	s1 =	sadd.s32 @p0 $0x2780, s1;
	s0 =	sshrl.u32 @p0 s0, $0x3  }
0x2e: {  	s0 =	sadd.s32 @p0 s5, s0;
	s5 =	simm.s32 @p0 $0x0;
	s20 =	sadd.s32 s4, s18  }
0x2f: {  	[tilespmem:s1], [sflag:s2] =	stream.linear.gather @p0 [hbm4b:s0+s5], $0x6000, $0x200038;
	[tilespmem:$0x1A780] =	vst v63  }
0x30: {  	s21 =	sshrl.u32 s20, $0x1F;
	s0 =	sshrl.u32 s20, $0x4  }
0x31: {  	s22 =	sand.u32 $0x1, s7;
	s0 =	sadd.s32 s21, s0  }
0x32: {  	s25 =	sand.u32 $0x1, s6;
	s30 =	simm.s32 $0x2700;
	s0 =	smul.u32 $0x60, s0  }
0x33: {  	s31 =	simm.s32 $0x0;
	_ =	strace @p0 $0x90000049;
	[dreg:$0x18] =	wrdreg s7  }
0x34: {  	s23 =	sadd.s32 $0x1, s22;
	_ =	strace $0x8000004A;
	s0 =	ssub.s32 s17, s0  }
0x35: {  	s28 =	smul.u32 $0x18000, s25;
	_ =	swait.ge [sflag:s23], $0x6000;
	[dreg:$0x1d] =	wrdreg s17;
	v1 =	vmov s0  }
0x36: {  	p2 =	seq.s32 s22, $0x1;
	[dreg:$0x17] =	wrdreg s6;
	[sflag:s23] =	ssyncset.done $0x0  }
0x37: {  	[dreg:$0x1e] =	wrdreg s25;
	[sflag:s23] =	ssyncadd.s32 $0xFFFFA000;
	s0 =	sshrl.u32 s28, $0x2  }
0x38: {  	s1 =	simm.s32 $0x8780;
	_ =	strace $0x9000004A;
	s29 =	sadd.s32 $0xE780, s0  }
0x39: {  	s1 =	simm.s32 @!p2 $0x2780;
	_ =	strace $0x8000004B;
	[dreg:$0x1f] =	wrdreg s29  }
0x3a: {  	v2 =	vmov s1;
	s1 =	simm.s32 $0x0;
	v3 =	vmov s29;
	[dreg:$0x4] =	wrdreg s31;
	v0 =	vld.idx.msk [tilespmem:v1+s30+$0x0], $0xffff;
	v1 =	vmul.u32 $0x33, v1  }
.LBB2_3:
0x3b: {  	s19 =	smul.u32 $0xC00, s1;
	s8 =	simm.s32 $0x0  }
0x3c: {  	s0 =	sand.u32 $0xC00, s8  }
0x3d: {  	s18 =	sand.u32 $0x60, s8;
	s0 =	sadd.s32 s19, s0  }
0x3e: {  	s5 =	sor.u32 s18, s0  }
0x3f: {  	[smem:$0x7FD] =	sst s1;
	s0 =	sor.u32 $0x10, s5  }
0x40: {  	v4 =	vld.idx.msk [tilespmem:v2+s0+$0x0 ss:$0x1], $0xffff;
	_ =	sdelay $0x4  }
0x41: {  	v4 =	vmul.f32 v4, v0;
	_ =	sdelay $0x1  }
0x42: {  	v4 =	vadd.f32 $2.500000000e+01, v4;
	_ =	sdelay $0x1  }
0x43: {  	v5 =	vmax.f32 v4, $0.0e+00  }
0x44: {  	v5 =	vmin.f32 v5, $4.900000000e+01  }
0x45: {  	v5 =	vtrunc.f32 v5  }
0x46: {  	v5 =	vcvt.f32.s32 v5;
	_ =	sdelay $0x1  }
0x47: {  	v6 =	vadd.s32 v5, v1;
	_ =	sdelay $0x4  }
0x48: {  	v7 =	vld.idx.msk [tilespmem:v6+s24+$0x0], $0xffff  }
0x49: {  	v5 =	vcvt.s32.f32 v5  }
0x4a: {  	v6 =	vld.idx.msk [tilespmem:v6+s26+$0x0], $0xffff  }
0x4b: {  	v8 =	vld.idx.msk [tilespmem:v2+s5+$0x0 ss:$0x1], $0xffff;
	v4 =	vsub.f32 v4, v5;
	_ =	sdelay $0x1  }
0x4c: {  	v4 =	vmul.f32 v4, v7;
	_ =	sdelay $0x1  }
0x4d: {  	v4 =	vadd.f32 v4, v6  }
0x4e: {  	v5 =	vmul.f32 v8, v0  }
0x4f: {  	s20 =	sor.u32 $0x90, s5;
	[tilespmem:v3+s0+$0x0 ss:$0x1] =	vst.idx.msk $0xffff, v4  }
0x50: {  	v4 =	vadd.f32 $2.500000000e+01, v5;
	v5 =	vld.idx.msk [tilespmem:v2+s20+$0x0 ss:$0x1], $0xffff;
	_ =	sdelay $0x1  }
0x51: {  	v6 =	vmax.f32 v4, $0.0e+00  }
0x52: {  	v6 =	vmin.f32 v6, $4.900000000e+01  }
0x53: {  	v6 =	vtrunc.f32 v6  }
0x54: {  	v6 =	vcvt.f32.s32 v6;
	v5 =	vmul.f32 v5, v0;
	_ =	sdelay $0x1  }
0x55: {  	v7 =	vadd.s32 v6, v1;
	v5 =	vadd.f32 $2.500000000e+01, v5;
	_ =	sdelay $0x1  }
0x56: {  	v8 =	vmax.f32 v5, $0.0e+00  }
0x57: {  	v8 =	vmin.f32 v8, $4.900000000e+01  }
0x58: {  	v8 =	vtrunc.f32 v8  }
0x59: {  	v9 =	vld.idx.msk [tilespmem:v7+s24+$0x0], $0xffff;
	v8 =	vcvt.f32.s32 v8  }
0x5a: {  	v6 =	vcvt.s32.f32 v6  }
0x5b: {  	v7 =	vld.idx.msk [tilespmem:v7+s26+$0x0], $0xffff;
	v10 =	vadd.s32 v8, v1  }
0x5c: {  	v4 =	vsub.f32 v4, v6;
	_ =	sdelay $0x1  }
0x5d: {  	v4 =	vmul.f32 v4, v9;
	_ =	sdelay $0x1  }
0x5e: {  	v4 =	vadd.f32 v4, v7;
	v6 =	vld.idx.msk [tilespmem:v10+s24+$0x0], $0xffff  }
0x5f: {  	v7 =	vcvt.s32.f32 v8  }
0x60: {  	s1 =	sor.u32 $0x80, s5;
	[tilespmem:v3+s5+$0x0 ss:$0x1] =	vst.idx.msk $0xffff, v4;
	v4 =	vld.idx.msk [tilespmem:v10+s26+$0x0], $0xffff  }
0x61: {  	v5 =	vsub.f32 v5, v7;
	v8 =	vld.idx.msk [tilespmem:v2+s1+$0x0 ss:$0x1], $0xffff;
	_ =	sdelay $0x1  }
0x62: {  	v5 =	vmul.f32 v5, v6;
	_ =	sdelay $0x1  }
0x63: {  	s2 =	simm.s32 $0x100;
	v4 =	vadd.f32 v5, v4  }
0x64: {  	s3 =	simm.s32 $0x20;
	s4 =	sand.u32 $0xC00, s2;
	v5 =	vmul.f32 v8, v0  }
0x65: {  	s3 =	sand.u32 $0x60, s3;
	s4 =	sadd.s32 s19, s4;
	s21 =	sor.u32 $0x110, s5;
	[tilespmem:v3+s20+$0x0 ss:$0x1] =	vst.idx.msk $0xffff, v4  }
0x66: {  	s7 =	sor.u32 s3, s4;
	v4 =	vadd.f32 $2.500000000e+01, v5;
	v5 =	vld.idx.msk [tilespmem:v2+s21+$0x0 ss:$0x1], $0xffff  }
0x67: {  	s3 =	sor.u32 $0x10, s7  }
0x68: {  	v7 =	vld.idx.msk [tilespmem:v2+s3+$0x0 ss:$0x1], $0xffff;
	v6 =	vmax.f32 v4, $0.0e+00  }
0x69: {  	v6 =	vmin.f32 v6, $4.900000000e+01  }
0x6a: {  	v6 =	vtrunc.f32 v6  }
0x6b: {  	v6 =	vcvt.f32.s32 v6;
	v5 =	vmul.f32 v5, v0;
	_ =	sdelay $0x1  }
0x6c: {  	v7 =	vmul.f32 v7, v0;
	v8 =	vadd.s32 v6, v1;
	v5 =	vadd.f32 $2.500000000e+01, v5;
	_ =	sdelay $0x1  }
0x6d: {  	v7 =	vadd.f32 $2.500000000e+01, v7;
	v9 =	vmax.f32 v5, $0.0e+00  }
0x6e: {  	v9 =	vmin.f32 v9, $4.900000000e+01  }
0x6f: {  	v10 =	vmax.f32 v7, $0.0e+00;
	v9 =	vtrunc.f32 v9  }
0x70: {  	v10 =	vmin.f32 v10, $4.900000000e+01;
	v11 =	vld.idx.msk [tilespmem:v8+s24+$0x0], $0xffff;
	v9 =	vcvt.f32.s32 v9  }
0x71: {  	v10 =	vtrunc.f32 v10;
	v6 =	vcvt.s32.f32 v6  }
0x72: {  	v10 =	vcvt.f32.s32 v10;
	v8 =	vld.idx.msk [tilespmem:v8+s26+$0x0], $0xffff;
	v12 =	vadd.s32 v9, v1  }
0x73: {  	v4 =	vsub.f32 v4, v6  }
0x74: {  	v13 =	vadd.s32 v10, v1;
	v6 =	vld.idx.msk [tilespmem:v2+s7+$0x0 ss:$0x1], $0xffff  }
0x75: {  	v4 =	vmul.f32 v4, v11;
	_ =	sdelay $0x1  }
0x76: {  	v4 =	vadd.f32 v4, v8;
	v8 =	vld.idx.msk [tilespmem:v12+s24+$0x0], $0xffff  }
0x77: {  	v9 =	vcvt.s32.f32 v9;
	v11 =	vld.idx.msk [tilespmem:v12+s26+$0x0], $0xffff  }
0x78: {  	s22 =	sor.u32 $0x100, s5;
	[tilespmem:v3+s1+$0x0 ss:$0x1] =	vst.idx.msk $0xffff, v4;
	v4 =	vmul.f32 v6, v0;
	v6 =	vld.idx.msk [tilespmem:v13+s24+$0x0], $0xffff  }
0x79: {  	v5 =	vsub.f32 v5, v9;
	v9 =	vcvt.s32.f32 v10;
	v12 =	vld.idx.msk [tilespmem:v2+s22+$0x0 ss:$0x1], $0xffff  }
0x7a: {  	v10 =	vld.idx.msk [tilespmem:v13+s26+$0x0], $0xffff;
	v4 =	vadd.f32 $2.500000000e+01, v4  }
0x7b: {  	v7 =	vsub.f32 v7, v9;
	v5 =	vmul.f32 v5, v8  }
0x7c: {  	v8 =	vmax.f32 v4, $0.0e+00  }
0x7d: {  	v8 =	vmin.f32 v8, $4.900000000e+01;
	v6 =	vmul.f32 v7, v6;
	v5 =	vadd.f32 v5, v11  }
0x7e: {  	v7 =	vmul.f32 v12, v0;
	v8 =	vtrunc.f32 v8  }
0x7f: {  	s6 =	sor.u32 $0x190, s5;
	v8 =	vcvt.f32.s32 v8;
	[tilespmem:v3+s21+$0x0 ss:$0x1] =	vst.idx.msk $0xffff, v5;
	v5 =	vadd.f32 v6, v10  }
0x80: {  	v6 =	vadd.f32 $2.500000000e+01, v7;
	v7 =	vld.idx.msk [tilespmem:v2+s6+$0x0 ss:$0x1], $0xffff  }
0x81: {  	s23 =	sor.u32 $0x90, s7;
	v9 =	vadd.s32 v8, v1;
	[tilespmem:v3+s3+$0x0 ss:$0x1] =	vst.idx.msk $0xffff, v5  }
0x82: {  	v5 =	vmax.f32 v6, $0.0e+00;
	v10 =	vld.idx.msk [tilespmem:v2+s23+$0x0 ss:$0x1], $0xffff  }
0x83: {  	v5 =	vmin.f32 v5, $4.900000000e+01  }
0x84: {  	v5 =	vtrunc.f32 v5  }
0x85: {  	v5 =	vcvt.f32.s32 v5;
	v7 =	vmul.f32 v7, v0  }
0x86: {  	v8 =	vcvt.s32.f32 v8;
	v11 =	vld.idx.msk [tilespmem:v9+s24+$0x0], $0xffff  }
0x87: {  	v12 =	vadd.s32 v5, v1;
	v7 =	vadd.f32 $2.500000000e+01, v7;
	v10 =	vmul.f32 v10, v0  }
0x88: {  	v9 =	vld.idx.msk [tilespmem:v9+s26+$0x0], $0xffff  }
0x89: {  	v4 =	vsub.f32 v4, v8;
	v8 =	vmax.f32 v7, $0.0e+00;
	v10 =	vadd.f32 $2.500000000e+01, v10  }
0x8a: {  	v8 =	vmin.f32 v8, $4.900000000e+01  }
0x8b: {  	v4 =	vmul.f32 v4, v11;
	v8 =	vtrunc.f32 v8;
	v11 =	vmax.f32 v10, $0.0e+00  }
0x8c: {  	v13 =	vld.idx.msk [tilespmem:v12+s24+$0x0], $0xffff;
	v8 =	vcvt.f32.s32 v8;
	v11 =	vmin.f32 v11, $4.900000000e+01  }
0x8d: {  	v5 =	vcvt.s32.f32 v5;
	v4 =	vadd.f32 v4, v9;
	v9 =	vtrunc.f32 v11  }
0x8e: {  	v11 =	vld.idx.msk [tilespmem:v12+s26+$0x0], $0xffff;
	v12 =	vadd.s32 v8, v1;
	v9 =	vcvt.f32.s32 v9  }
0x8f: {  	s25 =	sor.u32 $0x80, s7;
	v5 =	vsub.f32 v6, v5;
	[tilespmem:v3+s7+$0x0 ss:$0x1] =	vst.idx.msk $0xffff, v4  }
0x90: {  	v4 =	vld.idx.msk [tilespmem:v2+s25+$0x0 ss:$0x1], $0xffff;
	v6 =	vadd.s32 v9, v1  }
0x91: {  	v5 =	vmul.f32 v5, v13  }
0x92: {  	s11 =	sand.u32 $0xFFFFFC00, s8;
	s21 =	rddreg [dreg:$0x4]  }
0x93: {  	s1 =	sadd.s32 s11, s21;
	v5 =	vadd.f32 v5, v11;
	v11 =	vld.idx.msk [tilespmem:v12+s24+$0x0], $0xffff  }
0x94: {  	v8 =	vcvt.s32.f32 v8;
	s1 =	sadd.s32 $0x0, s1;
	v12 =	vld.idx.msk [tilespmem:v12+s26+$0x0], $0xffff  }
0x95: {  	s11 =	sor.u32 $0x180, s1;
	[tilespmem:v3+s22+$0x0 ss:$0x1] =	vst.idx.msk $0xffff, v5;
	v4 =	vmul.f32 v4, v0;
	v5 =	vld.idx.msk [tilespmem:v6+s24+$0x0], $0xffff  }
0x96: {  	v7 =	vsub.f32 v7, v8;
	v8 =	vcvt.s32.f32 v9;
	v13 =	vld.idx.msk [tilespmem:v2+s11+$0x0 ss:$0x1], $0xffff  }
0x97: {  	v6 =	vld.idx.msk [tilespmem:v6+s26+$0x0], $0xffff;
	v4 =	vadd.f32 $2.500000000e+01, v4  }
0x98: {  	v8 =	vsub.f32 v10, v8;
	v7 =	vmul.f32 v7, v11  }
0x99: {  	v9 =	vmax.f32 v4, $0.0e+00  }
0x9a: {  	v9 =	vmin.f32 v9, $4.900000000e+01;
	v7 =	vadd.f32 v7, v12;
	v5 =	vmul.f32 v8, v5  }
0x9b: {  	v8 =	vmul.f32 v13, v0;
	v9 =	vtrunc.f32 v9  }
0x9c: {  	s12 =	sor.u32 $0x210, s5;
	v9 =	vcvt.f32.s32 v9;
	[tilespmem:v3+s6+$0x0 ss:$0x1] =	vst.idx.msk $0xffff, v7;
	v5 =	vadd.f32 v5, v6  }
0x9d: {  	v6 =	vadd.f32 $2.500000000e+01, v8;
	s6 =	simm.s32 $0x200;
	v7 =	vld.idx.msk [tilespmem:v2+s12+$0x0 ss:$0x1], $0xffff  }
0x9e: {  	s13 =	simm.s32 $0x40;
	s10 =	sor.u32 $0x110, s7;
	v8 =	vadd.s32 v9, v1;
	s9 =	sand.u32 $0xC00, s6;
	[tilespmem:v3+s23+$0x0 ss:$0x1] =	vst.idx.msk $0xffff, v5  }
0x9f: {  	s14 =	sand.u32 $0x60, s13;
	v5 =	vmax.f32 v6, $0.0e+00;
	s15 =	sadd.s32 s19, s9;
	v10 =	vld.idx.msk [tilespmem:v2+s10+$0x0 ss:$0x1], $0xffff  }
0xa0: {  	v5 =	vmin.f32 v5, $4.900000000e+01;
	s0 =	sor.u32 s14, s15  }
0xa1: {  	v5 =	vtrunc.f32 v5;
	s16 =	sor.u32 $0x10, s0  }
0xa2: {  	v5 =	vcvt.f32.s32 v5;
	v11 =	vld.idx.msk [tilespmem:v2+s16+$0x0 ss:$0x1], $0xffff;
	v7 =	vmul.f32 v7, v0  }
0xa3: {  	v9 =	vcvt.s32.f32 v9;
	v12 =	vld.idx.msk [tilespmem:v8+s24+$0x0], $0xffff  }
0xa4: {  	v13 =	vadd.s32 v5, v1;
	v7 =	vadd.f32 $2.500000000e+01, v7;
	v10 =	vmul.f32 v10, v0  }
0xa5: {  	v8 =	vld.idx.msk [tilespmem:v8+s26+$0x0], $0xffff  }
0xa6: {  	v4 =	vsub.f32 v4, v9;
	v9 =	vmax.f32 v7, $0.0e+00;
	v10 =	vadd.f32 $2.500000000e+01, v10  }
0xa7: {  	v11 =	vmul.f32 v11, v0;
	v9 =	vmin.f32 v9, $4.900000000e+01  }
0xa8: {  	v4 =	vmul.f32 v4, v12;
	v9 =	vtrunc.f32 v9;
	v12 =	vmax.f32 v10, $0.0e+00  }
0xa9: {  	v14 =	vld.idx.msk [tilespmem:v13+s24+$0x0], $0xffff;
	v11 =	vadd.f32 $2.500000000e+01, v11;
	v9 =	vcvt.f32.s32 v9;
	v12 =	vmin.f32 v12, $4.900000000e+01  }
0xaa: {  	v5 =	vcvt.s32.f32 v5;
	v4 =	vadd.f32 v4, v8;
	v8 =	vld.idx.msk [tilespmem:v2+s0+$0x0 ss:$0x1], $0xffff;
	v12 =	vtrunc.f32 v12  }
0xab: {  	v13 =	vld.idx.msk [tilespmem:v13+s26+$0x0], $0xffff;
	v16 =	vmax.f32 v11, $0.0e+00;
	v15 =	vadd.s32 v9, v1;
	v12 =	vcvt.f32.s32 v12  }
0xac: {  	s17 =	sor.u32 $0x100, s7;
	v5 =	vsub.f32 v6, v5;
	[tilespmem:v3+s25+$0x0 ss:$0x1] =	vst.idx.msk $0xffff, v4;
	v4 =	vmin.f32 v16, $4.900000000e+01  }
0xad: {  	v6 =	vld.idx.msk [tilespmem:v2+s17+$0x0 ss:$0x1], $0xffff;
	v4 =	vtrunc.f32 v4;
	v16 =	vadd.s32 v12, v1  }
0xae: {  	v5 =	vmul.f32 v5, v14;
	v4 =	vcvt.f32.s32 v4  }
0xaf: {  	v8 =	vmul.f32 v8, v0  }
0xb0: {  	v5 =	vadd.f32 v5, v13;
	v14 =	vadd.s32 v4, v1;
	v13 =	vld.idx.msk [tilespmem:v15+s24+$0x0], $0xffff  }
0xb1: {  	v9 =	vcvt.s32.f32 v9;
	v8 =	vadd.f32 $2.500000000e+01, v8;
	v15 =	vld.idx.msk [tilespmem:v15+s26+$0x0], $0xffff  }
0xb2: {  	s18 =	sor.u32 $0x200, s5;
	[tilespmem:v3+s11+$0x0 ss:$0x1] =	vst.idx.msk $0xffff, v5;
	v5 =	vmul.f32 v6, v0;
	v6 =	vld.idx.msk [tilespmem:v16+s24+$0x0], $0xffff  }
0xb3: {  	v7 =	vsub.f32 v7, v9;
	v9 =	vcvt.s32.f32 v12;
	v17 =	vld.idx.msk [tilespmem:v2+s18+$0x0 ss:$0x1], $0xffff;
	v18 =	vmax.f32 v8, $0.0e+00  }
0xb4: {  	v16 =	vld.idx.msk [tilespmem:v16+s26+$0x0], $0xffff;
	v12 =	vmin.f32 v18, $4.900000000e+01;
	v5 =	vadd.f32 $2.500000000e+01, v5  }
0xb5: {  	v9 =	vsub.f32 v10, v9;
	v12 =	vtrunc.f32 v12;
	v18 =	vld.idx.msk [tilespmem:v14+s24+$0x0], $0xffff;
	v7 =	vmul.f32 v7, v13  }
0xb6: {  	v4 =	vcvt.s32.f32 v4;
	v10 =	vcvt.f32.s32 v12;
	v12 =	vmax.f32 v5, $0.0e+00  }
0xb7: {  	v13 =	vld.idx.msk [tilespmem:v14+s26+$0x0], $0xffff;
	v12 =	vmin.f32 v12, $4.900000000e+01;
	v7 =	vadd.f32 v7, v15;
	v6 =	vmul.f32 v9, v6  }
0xb8: {  	v4 =	vsub.f32 v11, v4;
	v9 =	vadd.s32 v10, v1;
	v12 =	vtrunc.f32 v12  }
0xb9: {  	s20 =	sor.u32 $0x290, s5;
	v11 =	vcvt.f32.s32 v12;
	[tilespmem:v3+s12+$0x0 ss:$0x1] =	vst.idx.msk $0xffff, v7;
	v6 =	vadd.f32 v6, v16  }
0xba: {  	v7 =	vmul.f32 v17, v0;
	v4 =	vmul.f32 v4, v18;
	v12 =	vld.idx.msk [tilespmem:v2+s20+$0x0 ss:$0x1], $0xffff  }
0xbb: {  	s12 =	sor.u32 $0x190, s7;
	v14 =	vadd.s32 v11, v1;
	[tilespmem:v3+s10+$0x0 ss:$0x1] =	vst.idx.msk $0xffff, v6  }
0xbc: {  	v6 =	vadd.f32 $2.500000000e+01, v7;
	v4 =	vadd.f32 v4, v13;
	v7 =	vld.idx.msk [tilespmem:v2+s12+$0x0 ss:$0x1], $0xffff  }
0xbd: {  	v13 =	vld.idx.msk [tilespmem:v9+s24+$0x0], $0xffff  }
0xbe: {  	s22 =	sor.u32 $0x90, s0;
	v10 =	vcvt.s32.f32 v10;
	v9 =	vld.idx.msk [tilespmem:v9+s26+$0x0], $0xffff;
	v15 =	vmax.f32 v6, $0.0e+00;
	[tilespmem:v3+s16+$0x0 ss:$0x1] =	vst.idx.msk $0xffff, v4  }
0xbf: {  	v4 =	vmin.f32 v15, $4.900000000e+01;
	v15 =	vld.idx.msk [tilespmem:v2+s22+$0x0 ss:$0x1], $0xffff;
	v12 =	vmul.f32 v12, v0  }
0xc0: {  	v8 =	vsub.f32 v8, v10;
	v10 =	vcvt.s32.f32 v11;
	v4 =	vtrunc.f32 v4;
	v11 =	vld.idx.msk [tilespmem:v14+s24+$0x0], $0xffff  }
0xc1: {  	v4 =	vcvt.f32.s32 v4;
	v12 =	vadd.f32 $2.500000000e+01, v12;
	v7 =	vmul.f32 v7, v0  }
0xc2: {  	v5 =	vsub.f32 v5, v10;
	v10 =	vld.idx.msk [tilespmem:v14+s26+$0x0], $0xffff;
	v8 =	vmul.f32 v8, v13  }
0xc3: {  	v13 =	vadd.s32 v4, v1;
	v14 =	vmax.f32 v12, $0.0e+00;
	v7 =	vadd.f32 $2.500000000e+01, v7  }
0xc4: {  	v8 =	vadd.f32 v8, v9;
	v9 =	vmin.f32 v14, $4.900000000e+01;
	v14 =	vmul.f32 v15, v0  }
0xc5: {  	v5 =	vmul.f32 v5, v11;
	v9 =	vtrunc.f32 v9;
	v11 =	vmax.f32 v7, $0.0e+00  }
0xc6: {  	s2 =	sand.u32 $0xFFFFFC00, s2;
	s23 =	sor.u32 $0x80, s0;
	[tilespmem:v3+s0+$0x0 ss:$0x1] =	vst.idx.msk $0xffff, v8;
	v8 =	vcvt.f32.s32 v9;
	v9 =	vadd.f32 $2.500000000e+01, v14;
	v11 =	vmin.f32 v11, $4.900000000e+01  }
0xc7: {  	s2 =	sadd.s32 s2, s21;
	v14 =	vld.idx.msk [tilespmem:v2+s23+$0x0 ss:$0x1], $0xffff;
	v5 =	vadd.f32 v5, v10;
	v10 =	vtrunc.f32 v11  }
0xc8: {  	s2 =	sadd.s32 $0x20, s2;
	v11 =	vadd.s32 v8, v1;
	v15 =	vmax.f32 v9, $0.0e+00;
	v10 =	vcvt.f32.s32 v10  }
0xc9: {  	s25 =	sor.u32 $0x180, s2;
	v16 =	vld.idx.msk [tilespmem:v13+s24+$0x0], $0xffff;
	[tilespmem:v3+s17+$0x0 ss:$0x1] =	vst.idx.msk $0xffff, v5;
	v5 =	vmin.f32 v15, $4.900000000e+01  }
0xca: {  	v15 =	vld.idx.msk [tilespmem:v2+s25+$0x0 ss:$0x1], $0xffff;
	v5 =	vtrunc.f32 v5;
	v17 =	vadd.s32 v10, v1  }
0xcb: {  	v4 =	vcvt.s32.f32 v4;
	v5 =	vcvt.f32.s32 v5  }
0xcc: {  	v13 =	vld.idx.msk [tilespmem:v13+s26+$0x0], $0xffff;
	v14 =	vmul.f32 v14, v0  }
0xcd: {  	v4 =	vsub.f32 v6, v4;
	v6 =	vld.idx.msk [tilespmem:v11+s24+$0x0], $0xffff;
	v18 =	vadd.s32 v5, v1  }
0xce: {  	v8 =	vcvt.s32.f32 v8;
	v14 =	vadd.f32 $2.500000000e+01, v14;
	v11 =	vld.idx.msk [tilespmem:v11+s26+$0x0], $0xffff  }
0xcf: {  	v4 =	vmul.f32 v4, v16;
	v15 =	vmul.f32 v15, v0;
	v16 =	vld.idx.msk [tilespmem:v17+s24+$0x0], $0xffff  }
0xd0: {  	v8 =	vsub.f32 v12, v8;
	v10 =	vcvt.s32.f32 v10;
	v19 =	vmax.f32 v14, $0.0e+00  }
0xd1: {  	v4 =	vadd.f32 v4, v13;
	v12 =	vmin.f32 v19, $4.900000000e+01;
	v13 =	vadd.f32 $2.500000000e+01, v15;
	v15 =	vld.idx.msk [tilespmem:v17+s26+$0x0], $0xffff  }
0xd2: {  	v7 =	vsub.f32 v7, v10;
	v12 =	vtrunc.f32 v12;
	v17 =	vld.idx.msk [tilespmem:v18+s24+$0x0], $0xffff;
	v6 =	vmul.f32 v8, v6  }
0xd3: {  	v5 =	vcvt.s32.f32 v5;
	[tilespmem:v3+s18+$0x0 ss:$0x1] =	vst.idx.msk $0xffff, v4;
	v4 =	vcvt.f32.s32 v12;
	v8 =	vmax.f32 v13, $0.0e+00  }
0xd4: {  	s3 =	sor.u32 $0x280, s5;
	v10 =	vld.idx.msk [tilespmem:v18+s26+$0x0], $0xffff;
	v8 =	vmin.f32 v8, $4.900000000e+01;
	v6 =	vadd.f32 v6, v11;
	v7 =	vmul.f32 v7, v16  }
0xd5: {  	v5 =	vsub.f32 v9, v5;
	v11 =	vld.idx.msk [tilespmem:v2+s3+$0x0 ss:$0x1], $0xffff;
	v12 =	vadd.s32 v4, v1;
	v8 =	vtrunc.f32 v8  }
0xd6: {  	s14 =	sor.u32 $0x310, s5;
	v8 =	vcvt.f32.s32 v8;
	[tilespmem:v3+s20+$0x0 ss:$0x1] =	vst.idx.msk $0xffff, v6;
	v6 =	vadd.f32 v7, v15  }
0xd7: {  	v7 =	vld.idx.msk [tilespmem:v2+s14+$0x0 ss:$0x1], $0xffff;
	v5 =	vmul.f32 v5, v17  }
0xd8: {  	s15 =	sor.u32 $0x210, s7;
	v9 =	vadd.s32 v8, v1;
	[tilespmem:v3+s12+$0x0 ss:$0x1] =	vst.idx.msk $0xffff, v6  }
0xd9: {  	v5 =	vadd.f32 v5, v10;
	v6 =	vld.idx.msk [tilespmem:v2+s15+$0x0 ss:$0x1], $0xffff  }
0xda: {  	s8 =	simm.s32 $0x300;
	v10 =	vmul.f32 v11, v0;
	v11 =	vld.idx.msk [tilespmem:v12+s24+$0x0], $0xffff  }
0xdb: {  	s13 =	sand.u32 $0xC00, s8;
	s16 =	sor.u32 $0x110, s0;
	v4 =	vcvt.s32.f32 v4;
	s12 =	simm.s32 $0x60;
	v12 =	vld.idx.msk [tilespmem:v12+s26+$0x0], $0xffff;
	[tilespmem:v3+s22+$0x0 ss:$0x1] =	vst.idx.msk $0xffff, v5  }
0xdc: {  	s20 =	sadd.s32 s19, s13;
	s18 =	sand.u32 $0x60, s12;
	v5 =	vadd.f32 $2.500000000e+01, v10;
	v10 =	vld.idx.msk [tilespmem:v2+s16+$0x0 ss:$0x1], $0xffff;
	v7 =	vmul.f32 v7, v0  }
0xdd: {  	v4 =	vsub.f32 v14, v4;
	v8 =	vcvt.s32.f32 v8;
	s13 =	sor.u32 s18, s20;
	v14 =	vld.idx.msk [tilespmem:v9+s24+$0x0], $0xffff  }
0xde: {  	s10 =	sor.u32 $0x10, s13;
	v7 =	vadd.f32 $2.500000000e+01, v7;
	v6 =	vmul.f32 v6, v0  }
0xdf: {  	v8 =	vsub.f32 v13, v8;
	v15 =	vmax.f32 v5, $0.0e+00;
	v4 =	vmul.f32 v4, v11;
	v11 =	vld.idx.msk [tilespmem:v2+s10+$0x0 ss:$0x1], $0xffff  }
0xe0: {  	v9 =	vld.idx.msk [tilespmem:v9+s26+$0x0], $0xffff;
	v13 =	vmin.f32 v15, $4.900000000e+01;
	v15 =	vmax.f32 v7, $0.0e+00;
	v6 =	vadd.f32 $2.500000000e+01, v6  }
0xe1: {  	v4 =	vadd.f32 v4, v12;
	v12 =	vmin.f32 v15, $4.900000000e+01;
	v10 =	vmul.f32 v10, v0  }
0xe2: {  	v15 =	vld.idx.msk [tilespmem:v2+s13+$0x0 ss:$0x1], $0xffff;
	v8 =	vmul.f32 v8, v14;
	v12 =	vtrunc.f32 v12;
	v14 =	vmax.f32 v6, $0.0e+00  }
0xe3: {  	v12 =	vcvt.f32.s32 v12;
	v10 =	vadd.f32 $2.500000000e+01, v10;
	v14 =	vmin.f32 v14, $4.900000000e+01  }
0xe4: {  	v11 =	vmul.f32 v11, v0;
	v14 =	vtrunc.f32 v14  }
0xe5: {  	[tilespmem:v3+s23+$0x0 ss:$0x1] =	vst.idx.msk $0xffff, v4;
	v4 =	vadd.f32 v8, v9;
	v8 =	vmax.f32 v10, $0.0e+00;
	v9 =	vcvt.f32.s32 v14  }
0xe6: {  	s22 =	sor.u32 $0x100, s0;
	v16 =	vadd.s32 v12, v1;
	v11 =	vadd.f32 $2.500000000e+01, v11;
	v8 =	vmin.f32 v8, $4.900000000e+01  }
0xe7: {  	v14 =	vld.idx.msk [tilespmem:v2+s22+$0x0 ss:$0x1], $0xffff;
	v15 =	vmul.f32 v15, v0;
	v8 =	vtrunc.f32 v8;
	v17 =	vadd.s32 v9, v1  }
0xe8: {  	v13 =	vtrunc.f32 v13;
	v18 =	vmax.f32 v11, $0.0e+00;
	v8 =	vcvt.f32.s32 v8  }
0xe9: {  	v13 =	vcvt.f32.s32 v13;
	s23 =	sor.u32 $0x200, s7;
	[tilespmem:v3+s25+$0x0 ss:$0x1] =	vst.idx.msk $0xffff, v4;
	v4 =	vadd.f32 $2.500000000e+01, v15;
	v15 =	vmin.f32 v18, $4.900000000e+01  }
0xea: {  	v19 =	vld.idx.msk [tilespmem:v2+s23+$0x0 ss:$0x1], $0xffff;
	v15 =	vtrunc.f32 v15;
	v20 =	vadd.s32 v8, v1  }
0xeb: {  	v12 =	vcvt.s32.f32 v12;
	v18 =	vadd.s32 v13, v1;
	v22 =	vld.idx.msk [tilespmem:v16+s24+$0x0], $0xffff;
	v15 =	vcvt.f32.s32 v15  }
0xec: {  	v9 =	vcvt.s32.f32 v9;
	v14 =	vmul.f32 v14, v0;
	v23 =	vld.idx.msk [tilespmem:v17+s24+$0x0], $0xffff  }
0xed: {  	v21 =	vmax.f32 v4, $0.0e+00;
	v16 =	vld.idx.msk [tilespmem:v16+s26+$0x0], $0xffff;
	v8 =	vcvt.s32.f32 v8;
	v24 =	vadd.s32 v15, v1  }
0xee: {  	v7 =	vsub.f32 v7, v12;
	v21 =	vmin.f32 v21, $4.900000000e+01;
	v14 =	vadd.f32 $2.500000000e+01, v14;
	v12 =	vld.idx.msk [tilespmem:v17+s26+$0x0], $0xffff  }
0xef: {  	v6 =	vsub.f32 v6, v9;
	v21 =	vtrunc.f32 v21;
	v8 =	vsub.f32 v10, v8;
	v25 =	vld.idx.msk [tilespmem:v20+s24+$0x0], $0xffff  }
0xf0: {  	v17 =	vcvt.f32.s32 v21;
	v9 =	vld.idx.msk [tilespmem:v18+s24+$0x0], $0xffff;
	v33 =	vmax.f32 v14, $0.0e+00;
	v7 =	vmul.f32 v7, v22  }
0xf1: {  	v15 =	vcvt.s32.f32 v15;
	v21 =	vmin.f32 v33, $4.900000000e+01;
	v20 =	vld.idx.msk [tilespmem:v20+s26+$0x0], $0xffff;
	v6 =	vmul.f32 v6, v23  }
0xf2: {  	v34 =	vadd.s32 v17, v1;
	v21 =	vtrunc.f32 v21;
	v7 =	vadd.f32 v7, v16;
	v16 =	vld.idx.msk [tilespmem:v24+s24+$0x0], $0xffff  }
0xf3: {  	v10 =	vld.idx.msk [tilespmem:v18+s26+$0x0], $0xffff;
	v18 =	vmul.f32 v19, v0;
	v21 =	vcvt.f32.s32 v21;
	v6 =	vadd.f32 v6, v12  }
0xf4: {  	s9 =	sor.u32 $0x390, s5;
	v11 =	vsub.f32 v11, v15;
	v19 =	vld.idx.msk [tilespmem:v24+s26+$0x0], $0xffff;
	[tilespmem:v3+s14+$0x0 ss:$0x1] =	vst.idx.msk $0xffff, v7;
	v7 =	vmul.f32 v8, v25  }
0xf5: {  	s17 =	sor.u32 $0x290, s7;
	v12 =	vadd.s32 v21, v1;
	v8 =	vadd.f32 $2.500000000e+01, v18;
	v18 =	vld.idx.msk [tilespmem:v2+s9+$0x0 ss:$0x1], $0xffff;
	[tilespmem:v3+s15+$0x0 ss:$0x1] =	vst.idx.msk $0xffff, v6  }
0xf6: {  	v6 =	vcvt.s32.f32 v13;
	v7 =	vadd.f32 v7, v20;
	v13 =	vld.idx.msk [tilespmem:v2+s17+$0x0 ss:$0x1], $0xffff  }
0xf7: {  	v15 =	vmax.f32 v8, $0.0e+00;
	v20 =	vld.idx.msk [tilespmem:v34+s24+$0x0], $0xffff;
	v11 =	vmul.f32 v11, v16  }
0xf8: {  	s25 =	sor.u32 $0x190, s0;
	v16 =	vld.idx.msk [tilespmem:v34+s26+$0x0], $0xffff;
	v5 =	vsub.f32 v5, v6;
	v6 =	vcvt.s32.f32 v17;
	v15 =	vmin.f32 v15, $4.900000000e+01;
	[tilespmem:v3+s16+$0x0 ss:$0x1] =	vst.idx.msk $0xffff, v7  }
0xf9: {  	v7 =	vcvt.s32.f32 v21;
	v15 =	vtrunc.f32 v15;
	v11 =	vadd.f32 v11, v19;
	v17 =	vld.idx.msk [tilespmem:v2+s25+$0x0 ss:$0x1], $0xffff  }
0xfa: {  	v4 =	vsub.f32 v4, v6;
	v5 =	vmul.f32 v5, v9;
	v6 =	vcvt.f32.s32 v15;
	v9 =	vld.idx.msk [tilespmem:v12+s24+$0x0], $0xffff  }
0xfb: {  	s16 =	sor.u32 $0x90, s13;
	v12 =	vld.idx.msk [tilespmem:v12+s26+$0x0], $0xffff;
	v15 =	vmul.f32 v18, v0;
	[tilespmem:v3+s10+$0x0 ss:$0x1] =	vst.idx.msk $0xffff, v11;
	v11 =	vmul.f32 v13, v0  }
0xfc: {  	v7 =	vsub.f32 v14, v7;
	v5 =	vadd.f32 v5, v10;
	v4 =	vmul.f32 v4, v20;
	v10 =	vld.idx.msk [tilespmem:v2+s16+$0x0 ss:$0x1], $0xffff  }
0xfd: {  	v13 =	vadd.s32 v6, v1;
	v14 =	vadd.f32 $2.500000000e+01, v15;
	v11 =	vadd.f32 $2.500000000e+01, v11  }
0xfe: {  	v6 =	vcvt.s32.f32 v6;
	v4 =	vadd.f32 v4, v16;
	v15 =	vmul.f32 v17, v0  }
0xff: {  	[tilespmem:v3+s3+$0x0 ss:$0x1] =	vst.idx.msk $0xffff, v5;
	v5 =	vmul.f32 v7, v9;
	v7 =	vmax.f32 v14, $0.0e+00;
	v9 =	vmax.f32 v11, $0.0e+00  }
0x100: {  	s12 =	sand.u32 $0xFFFFFC00, s6;
	s6 =	sor.u32 $0x80, s13;
	[tilespmem:v3+s13+$0x0 ss:$0x1] =	vst.idx.msk $0xffff, v4;
	v4 =	vmin.f32 v7, $4.900000000e+01;
	v7 =	vadd.f32 $2.500000000e+01, v15;
	v9 =	vmin.f32 v9, $4.900000000e+01  }
0x101: {  	v15 =	vld.idx.msk [tilespmem:v2+s6+$0x0 ss:$0x1], $0xffff;
	v5 =	vadd.f32 v5, v12;
	v10 =	vmul.f32 v10, v0;
	v9 =	vtrunc.f32 v9  }
0x102: {  	s3 =	sadd.s32 s12, s21;
	v12 =	vld.idx.msk [tilespmem:v13+s24+$0x0], $0xffff;
	v4 =	vtrunc.f32 v4;
	v9 =	vcvt.f32.s32 v9  }
0x103: {  	s10 =	sadd.s32 $0x40, s3;
	v4 =	vcvt.f32.s32 v4;
	v17 =	vmax.f32 v7, $0.0e+00;
	[tilespmem:v3+s22+$0x0 ss:$0x1] =	vst.idx.msk $0xffff, v5;
	v5 =	vadd.f32 $2.500000000e+01, v10  }
0x104: {  	v6 =	vsub.f32 v8, v6;
	s3 =	sor.u32 $0x180, s10;
	v13 =	vld.idx.msk [tilespmem:v13+s26+$0x0], $0xffff;
	v10 =	vmin.f32 v17, $4.900000000e+01;
	v17 =	vadd.s32 v9, v1  }
0x105: {  	s14 =	sor.u32 $0x300, s5;
	v8 =	vld.idx.msk [tilespmem:v2+s3+$0x0 ss:$0x1], $0xffff;
	v18 =	vadd.s32 v4, v1;
	v10 =	vtrunc.f32 v10;
	v19 =	vmax.f32 v5, $0.0e+00  }
0x106: {  	v16 =	vld.idx.msk [tilespmem:v2+s14+$0x0 ss:$0x1], $0xffff;
	v10 =	vcvt.f32.s32 v10;
	v15 =	vmul.f32 v15, v0;
	v19 =	vmin.f32 v19, $4.900000000e+01  }
0x107: {  	v6 =	vmul.f32 v6, v12;
	v12 =	vtrunc.f32 v19  }
0x108: {  	v19 =	vadd.s32 v10, v1;
	v15 =	vadd.f32 $2.500000000e+01, v15;
	v12 =	vcvt.f32.s32 v12  }
0x109: {  	v9 =	vcvt.s32.f32 v9;
	v6 =	vadd.f32 v6, v13;
	v13 =	vld.idx.msk [tilespmem:v17+s24+$0x0], $0xffff  }
0x10a: {  	v8 =	vmul.f32 v8, v0;
	v20 =	vld.idx.msk [tilespmem:v18+s24+$0x0], $0xffff;
	v35 =	vmax.f32 v15, $0.0e+00;
	v36 =	vadd.s32 v12, v1  }
0x10b: {  	s12 =	sor.u32 $0x280, s7;
	v16 =	vmul.f32 v16, v0;
	v4 =	vcvt.s32.f32 v4;
	v17 =	vld.idx.msk [tilespmem:v17+s26+$0x0], $0xffff;
	[tilespmem:v3+s23+$0x0 ss:$0x1] =	vst.idx.msk $0xffff, v6;
	v21 =	vmin.f32 v35, $4.900000000e+01  }
0x10c: {  	v9 =	vsub.f32 v11, v9;
	v8 =	vadd.f32 $2.500000000e+01, v8;
	v11 =	vld.idx.msk [tilespmem:v2+s12+$0x0 ss:$0x1], $0xffff;
	v6 =	vtrunc.f32 v21  }
0x10d: {  	v10 =	vcvt.s32.f32 v10;
	v37 =	vld.idx.msk [tilespmem:v19+s24+$0x0], $0xffff;
	v6 =	vcvt.f32.s32 v6  }
0x10e: {  	v16 =	vadd.f32 $2.500000000e+01, v16;
	v38 =	vmax.f32 v8, $0.0e+00;
	v19 =	vld.idx.msk [tilespmem:v19+s26+$0x0], $0xffff;
	v9 =	vmul.f32 v9, v13  }
0x10f: {  	v7 =	vsub.f32 v7, v10;
	v23 =	vmin.f32 v38, $4.900000000e+01;
	v13 =	vadd.s32 v6, v1;
	v40 =	vld.idx.msk [tilespmem:v36+s24+$0x0], $0xffff  }
0x110: {  	v10 =	vld.idx.msk [tilespmem:v18+s26+$0x0], $0xffff;
	v12 =	vcvt.s32.f32 v12;
	v23 =	vtrunc.f32 v23;
	v9 =	vadd.f32 v9, v17  }
0x111: {  	v4 =	vsub.f32 v14, v4;
	v39 =	vmax.f32 v16, $0.0e+00;
	v22 =	vld.idx.msk [tilespmem:v36+s26+$0x0], $0xffff;
	v18 =	vcvt.f32.s32 v23  }
0x112: {  	v5 =	vsub.f32 v5, v12;
	v17 =	vmin.f32 v39, $4.900000000e+01;
	v7 =	vmul.f32 v7, v37;
	[tilespmem:v3+s17+$0x0 ss:$0x1] =	vst.idx.msk $0xffff, v9;
	s17 =	sor.u32 $0x310, s7  }
0x113: {  	v17 =	vtrunc.f32 v17;
	v41 =	vadd.s32 v18, v1;
	v9 =	vmul.f32 v11, v0;
	v12 =	vld.idx.msk [tilespmem:v2+s17+$0x0 ss:$0x1], $0xffff  }
0x114: {  	v11 =	vcvt.f32.s32 v17;
	v7 =	vadd.f32 v7, v19;
	v14 =	vld.idx.msk [tilespmem:v13+s24+$0x0], $0xffff;
	v5 =	vmul.f32 v5, v40  }
0x115: {  	v6 =	vcvt.s32.f32 v6;
	v13 =	vld.idx.msk [tilespmem:v13+s26+$0x0], $0xffff  }
0x116: {  	s20 =	sor.u32 $0x210, s0;
	v9 =	vadd.f32 $2.500000000e+01, v9;
	v17 =	vadd.s32 v11, v1;
	[tilespmem:v3+s25+$0x0 ss:$0x1] =	vst.idx.msk $0xffff, v7;
	v5 =	vadd.f32 v5, v22  }
0x117: {  	v4 =	vmul.f32 v4, v20;
	v7 =	vld.idx.msk [tilespmem:v2+s20+$0x0 ss:$0x1], $0xffff  }
0x118: {  	s18 =	sor.u32 $0x110, s13;
	s15 =	simm.s32 $0x400;
	v6 =	vsub.f32 v15, v6;
	v15 =	vmax.f32 v9, $0.0e+00;
	v19 =	vld.idx.msk [tilespmem:v41+s24+$0x0], $0xffff;
	[tilespmem:v3+s16+$0x0 ss:$0x1] =	vst.idx.msk $0xffff, v5  }
0x119: {  	s22 =	simm.s32 $0x80;
	s23 =	sand.u32 $0xC00, s15;
	v18 =	vcvt.s32.f32 v18;
	v20 =	vld.idx.msk [tilespmem:v41+s26+$0x0], $0xffff;
	v15 =	vmin.f32 v15, $4.900000000e+01;
	[dreg:$0x5] =	wrdreg s19  }
0x11a: {  	s4 =	sand.u32 $0x60, s22;
	s5 =	sadd.s32 s19, s23;
	v5 =	vadd.f32 v4, v10;
	v4 =	vcvt.s32.f32 v11;
	v12 =	vmul.f32 v12, v0;
	v11 =	vld.idx.msk [tilespmem:v2+s18+$0x0 ss:$0x1], $0xffff  }
0x11b: {  	s5 =	sor.u32 s4, s5;
	v10 =	vtrunc.f32 v15;
	v6 =	vmul.f32 v6, v14;
	v14 =	vld.idx.msk [tilespmem:v17+s24+$0x0], $0xffff  }
0x11c: {  	v8 =	vsub.f32 v8, v18;
	v10 =	vcvt.f32.s32 v10;
	v15 =	vld.idx.msk [tilespmem:v2+s5+$0x0 ss:$0x1], $0xffff;
	v12 =	vadd.f32 $2.500000000e+01, v12  }
0x11d: {  	s25 =	sor.u32 $0x10, s5;
	v4 =	vsub.f32 v16, v4;
	v6 =	vadd.f32 v6, v13;
	v7 =	vmul.f32 v7, v0  }
0x11e: {  	v13 =	vld.idx.msk [tilespmem:v2+s25+$0x0 ss:$0x1], $0xffff;
	v16 =	vcvt.s32.f32 v10;
	v8 =	vmul.f32 v8, v19;
	v18 =	vmax.f32 v12, $0.0e+00  }
0x11f: {  	v10 =	vadd.s32 v10, v1;
	v7 =	vadd.f32 $2.500000000e+01, v7;
	v18 =	vmin.f32 v18, $4.900000000e+01  }
0x120: {  	[tilespmem:v3+s6+$0x0 ss:$0x1] =	vst.idx.msk $0xffff, v6;
	v8 =	vadd.f32 v8, v20;
	v6 =	vmul.f32 v11, v0;
	v11 =	vtrunc.f32 v18  }
0x121: {  	v17 =	vld.idx.msk [tilespmem:v17+s26+$0x0], $0xffff;
	v4 =	vmul.f32 v4, v14;
	v15 =	vmul.f32 v15, v0;
	v14 =	vmax.f32 v7, $0.0e+00  }
0x122: {  	s4 =	sor.u32 $0x100, s13;
	v11 =	vcvt.f32.s32 v11;
	v6 =	vadd.f32 $2.500000000e+01, v6;
	v14 =	vmin.f32 v14, $4.900000000e+01  }
0x123: {  	v9 =	vsub.f32 v9, v16;
	v18 =	vld.idx.msk [tilespmem:v2+s4+$0x0 ss:$0x1], $0xffff;
	v13 =	vmul.f32 v13, v0;
	v14 =	vtrunc.f32 v14  }
0x124: {  	v19 =	vadd.s32 v11, v1;
	v20 =	vmax.f32 v6, $0.0e+00;
	v14 =	vcvt.f32.s32 v14  }
0x125: {  	v15 =	vadd.f32 $2.500000000e+01, v15;
	v13 =	vadd.f32 $2.500000000e+01, v13;
	v20 =	vmin.f32 v20, $4.900000000e+01  }
0x126: {  	s22 =	sor.u32 $0x200, s0;
	[tilespmem:v3+s3+$0x0 ss:$0x1] =	vst.idx.msk $0xffff, v8;
	v4 =	vadd.f32 v4, v17;
	v20 =	vtrunc.f32 v20;
	v42 =	vadd.s32 v14, v1  }
0x127: {  	v45 =	vld.idx.msk [tilespmem:v2+s22+$0x0 ss:$0x1], $0xffff;
	v11 =	vcvt.s32.f32 v11;
	v44 =	vmax.f32 v13, $0.0e+00;
	v20 =	vcvt.f32.s32 v20  }
0x128: {  	v43 =	vld.idx.msk [tilespmem:v10+s24+$0x0], $0xffff;
	v8 =	vmax.f32 v15, $0.0e+00;
	v18 =	vmul.f32 v18, v0;
	v23 =	vmin.f32 v44, $4.900000000e+01  }
0x129: {  	v8 =	vmin.f32 v8, $4.900000000e+01;
	v23 =	vtrunc.f32 v23;
	v46 =	vld.idx.msk [tilespmem:v19+s24+$0x0], $0xffff;
	v26 =	vadd.s32 v20, v1  }
0x12a: {  	v8 =	vtrunc.f32 v8;
	v18 =	vadd.f32 $2.500000000e+01, v18;
	v23 =	vcvt.f32.s32 v23;
	v19 =	vld.idx.msk [tilespmem:v19+s26+$0x0], $0xffff  }
0x12b: {  	v11 =	vsub.f32 v12, v11;
	v12 =	vcvt.s32.f32 v14;
	v8 =	vcvt.f32.s32 v8;
	v47 =	vld.idx.msk [tilespmem:v42+s24+$0x0], $0xffff  }
0x12c: {  	v10 =	vld.idx.msk [tilespmem:v10+s26+$0x0], $0xffff;
	v48 =	vmul.f32 v45, v0;
	v27 =	vmax.f32 v18, $0.0e+00;
	v28 =	vadd.s32 v23, v1  }
0x12d: {  	s1 =	sor.u32 $0x380, s1;
	[tilespmem:v3+s14+$0x0 ss:$0x1] =	vst.idx.msk $0xffff, v4;
	v7 =	vsub.f32 v7, v12;
	v4 =	vcvt.s32.f32 v8;
	v17 =	vmin.f32 v27, $4.900000000e+01;
	v16 =	vld.idx.msk [tilespmem:v42+s26+$0x0], $0xffff  }
0x12e: {  	v8 =	vadd.s32 v8, v1;
	v14 =	vtrunc.f32 v17;
	v11 =	vmul.f32 v11, v46;
	v17 =	vld.idx.msk [tilespmem:v26+s24+$0x0], $0xffff;
	[dreg:$0x6] =	wrdreg s1  }
0x12f: {  	v20 =	vcvt.s32.f32 v20;
	v21 =	vadd.f32 $2.500000000e+01, v48;
	v14 =	vcvt.f32.s32 v14;
	v12 =	vld.idx.msk [tilespmem:v2+s1+$0x0 ss:$0x1], $0xffff  }
0x130: {  	v4 =	vsub.f32 v15, v4;
	v15 =	vld.idx.msk [tilespmem:v26+s26+$0x0], $0xffff;
	v11 =	vadd.f32 v11, v19;
	v7 =	vmul.f32 v7, v47  }
0x131: {  	v9 =	vmul.f32 v9, v43;
	v6 =	vsub.f32 v6, v20;
	v19 =	vadd.s32 v14, v1;
	v49 =	vld.idx.msk [tilespmem:v28+s24+$0x0], $0xffff  }
0x132: {  	s3 =	sor.u32 $0x390, s7;
	v20 =	vld.idx.msk [tilespmem:v28+s26+$0x0], $0xffff;
	[tilespmem:v3+s17+$0x0 ss:$0x1] =	vst.idx.msk $0xffff, v11;
	v11 =	vcvt.s32.f32 v23;
	v7 =	vadd.f32 v7, v16;
	v16 =	vmax.f32 v21, $0.0e+00  }
0x133: {  	v9 =	vadd.f32 v9, v10;
	v50 =	vld.idx.msk [tilespmem:v2+s3+$0x0 ss:$0x1], $0xffff;
	v6 =	vmul.f32 v6, v17;
	v16 =	vmin.f32 v16, $4.900000000e+01  }
0x134: {  	v17 =	vld.idx.msk [tilespmem:v8+s24+$0x0], $0xffff;
	v11 =	vsub.f32 v13, v11;
	[tilespmem:v3+s20+$0x0 ss:$0x1] =	vst.idx.msk $0xffff, v7;
	v7 =	vtrunc.f32 v16  }
0x135: {  	s23 =	sor.u32 $0x290, s0;
	v8 =	vld.idx.msk [tilespmem:v8+s26+$0x0], $0xffff;
	v12 =	vmul.f32 v12, v0;
	v6 =	vadd.f32 v6, v15;
	v7 =	vcvt.f32.s32 v7  }
0x136: {  	[tilespmem:v3+s12+$0x0 ss:$0x1] =	vst.idx.msk $0xffff, v9;
	v13 =	vld.idx.msk [tilespmem:v2+s23+$0x0 ss:$0x1], $0xffff;
	v11 =	vmul.f32 v11, v49  }
0x137: {  	v14 =	vcvt.s32.f32 v14;
	v10 =	vld.idx.msk [tilespmem:v19+s24+$0x0], $0xffff;
	[tilespmem:v3+s18+$0x0 ss:$0x1] =	vst.idx.msk $0xffff, v6;
	v6 =	vadd.f32 $2.500000000e+01, v12;
	v12 =	vadd.s32 v7, v1  }
0x138: {  	s6 =	sor.u32 $0x300, s7;
	v9 =	vld.idx.msk [tilespmem:v19+s26+$0x0], $0xffff;
	s18 =	sor.u32 $0x190, s13;
	v11 =	vadd.f32 v11, v20;
	v16 =	vmul.f32 v50, v0;
	v7 =	vcvt.s32.f32 v7  }
0x139: {  	v14 =	vsub.f32 v18, v14;
	v15 =	vld.idx.msk [tilespmem:v2+s18+$0x0 ss:$0x1], $0xffff;
	v4 =	vmul.f32 v4, v17;
	[dreg:$0xa] =	wrdreg s6  }
0x13a: {  	v17 =	vmax.f32 v6, $0.0e+00;
	v18 =	vld.idx.msk [tilespmem:v2+s6+$0x0 ss:$0x1], $0xffff;
	[tilespmem:v3+s25+$0x0 ss:$0x1] =	vst.idx.msk $0xffff, v11;
	v11 =	vadd.f32 $2.500000000e+01, v16;
	v7 =	vsub.f32 v21, v7  }
0x13b: {  	s29 =	sor.u32 $0x90, s5;
	v16 =	vmin.f32 v17, $4.900000000e+01;
	v13 =	vmul.f32 v13, v0;
	v4 =	vadd.f32 v4, v8  }
0x13c: {  	v10 =	vmul.f32 v14, v10;
	v8 =	vld.idx.msk [tilespmem:v2+s29+$0x0 ss:$0x1], $0xffff;
	v16 =	vtrunc.f32 v16;
	v14 =	vmax.f32 v11, $0.0e+00  }
0x13d: {  	v13 =	vadd.f32 $2.500000000e+01, v13;
	v19 =	vcvt.f32.s32 v16;
	[tilespmem:v3+s5+$0x0 ss:$0x1] =	vst.idx.msk $0xffff, v4;
	v4 =	vmin.f32 v14, $4.900000000e+01  }
0x13e: {  	s8 =	sand.u32 $0xFFFFFC00, s8;
	s17 =	sor.u32 $0x80, s5;
	v9 =	vadd.f32 v10, v9;
	v17 =	vld.idx.msk [tilespmem:v12+s24+$0x0], $0xffff;
	v14 =	vmul.f32 v15, v0;
	v4 =	vtrunc.f32 v4  }
0x13f: {  	s1 =	sadd.s32 s8, s21;
	v15 =	vld.idx.msk [tilespmem:v2+s17+$0x0 ss:$0x1], $0xffff;
	v10 =	vmax.f32 v13, $0.0e+00;
	v16 =	vmul.f32 v18, v0;
	v4 =	vcvt.f32.s32 v4  }
0x140: {  	s20 =	sadd.s32 $0x60, s1;
	[tilespmem:v3+s4+$0x0 ss:$0x1] =	vst.idx.msk $0xffff, v9;
	v14 =	vadd.f32 $2.500000000e+01, v14;
	v9 =	vmin.f32 v10, $4.900000000e+01;
	v10 =	vadd.s32 v19, v1  }
0x141: {  	s28 =	sor.u32 $0x180, s20;
	v12 =	vld.idx.msk [tilespmem:v12+s26+$0x0], $0xffff;
	v8 =	vmul.f32 v8, v0;
	v9 =	vtrunc.f32 v9;
	v20 =	vadd.s32 v4, v1  }
0x142: {  	v18 =	vld.idx.msk [tilespmem:v2+s28+$0x0 ss:$0x1], $0xffff;
	v52 =	vadd.f32 $2.500000000e+01, v16;
	v51 =	vmax.f32 v14, $0.0e+00;
	v9 =	vcvt.f32.s32 v9  }
0x143: {  	v7 =	vmul.f32 v7, v17;
	v8 =	vadd.f32 $2.500000000e+01, v8;
	v17 =	vmin.f32 v51, $4.900000000e+01  }
0x144: {  	v15 =	vmul.f32 v15, v0;
	v16 =	vtrunc.f32 v17;
	v17 =	vadd.s32 v9, v1  }
0x145: {  	v19 =	vcvt.s32.f32 v19;
	v53 =	vmax.f32 v8, $0.0e+00;
	v16 =	vcvt.f32.s32 v16  }
0x146: {  	[tilespmem:v3+s9+$0x0 ss:$0x1] =	vst.idx.msk $0xffff, v5;
	v7 =	vadd.f32 v7, v12;
	v15 =	vadd.f32 $2.500000000e+01, v15;
	v22 =	vmin.f32 v53, $4.900000000e+01;
	v5 =	vld.idx.msk [tilespmem:v10+s26+$0x0], $0xffff  }
0x147: {  	v18 =	vmul.f32 v18, v0;
	v12 =	vtrunc.f32 v22;
	v54 =	vld.idx.msk [tilespmem:v20+s24+$0x0], $0xffff;
	v55 =	vadd.s32 v16, v1  }
0x148: {  	v4 =	vcvt.s32.f32 v4;
	v20 =	vld.idx.msk [tilespmem:v20+s26+$0x0], $0xffff;
	v56 =	vmax.f32 v15, $0.0e+00;
	v12 =	vcvt.f32.s32 v12  }
0x149: {  	s16 =	sor.u32 $0x280, s0;
	v6 =	vsub.f32 v6, v19;
	v18 =	vadd.f32 $2.500000000e+01, v18;
	[tilespmem:v3+s22+$0x0 ss:$0x1] =	vst.idx.msk $0xffff, v7;
	v24 =	vmin.f32 v56, $4.900000000e+01;
	v7 =	vld.idx.msk [tilespmem:v17+s24+$0x0], $0xffff  }
0x14a: {  	v9 =	vcvt.s32.f32 v9;
	v59 =	vld.idx.msk [tilespmem:v2+s16+$0x0 ss:$0x1], $0xffff;
	v24 =	vtrunc.f32 v24;
	v58 =	vadd.s32 v12, v1  }
0x14b: {  	v4 =	vsub.f32 v11, v4;
	v11 =	vmax.f32 v18, $0.0e+00;
	v17 =	vld.idx.msk [tilespmem:v17+s26+$0x0], $0xffff;
	v24 =	vcvt.f32.s32 v24  }
0x14c: {  	v9 =	vsub.f32 v13, v9;
	v16 =	vcvt.s32.f32 v16;
	v11 =	vmin.f32 v11, $4.900000000e+01;
	v60 =	vld.idx.msk [tilespmem:v55+s24+$0x0], $0xffff  }
0x14d: {  	v11 =	vtrunc.f32 v11;
	v22 =	vmul.f32 v4, v54;
	v4 =	vld.idx.msk [tilespmem:v10+s24+$0x0], $0xffff;
	v13 =	vadd.s32 v24, v1  }
0x14e: {  	v57 =	vmax.f32 v52, $0.0e+00;
	v11 =	vcvt.f32.s32 v11;
	v23 =	vld.idx.msk [tilespmem:v55+s26+$0x0], $0xffff;
	v7 =	vmul.f32 v9, v7  }
0x14f: {  	s12 =	sor.u32 $0x380, s2;
	v12 =	vcvt.s32.f32 v12;
	v10 =	vadd.f32 v22, v20;
	v29 =	vld.idx.msk [tilespmem:v58+s24+$0x0], $0xffff;
	v9 =	vsub.f32 v14, v16  }
0x150: {  	s15 =	sand.u32 $0xFFFFFC00, s15;
	s14 =	sor.u32 $0x380, s10;
	v20 =	vadd.s32 v11, v1;
	v14 =	vmul.f32 v59, v0;
	[dreg:$0x9] =	wrdreg s12;
	v7 =	vadd.f32 v7, v17  }
0x151: {  	s31 =	sor.u32 $0x280, s5;
	s7 =	smov.u32 s0;
	v25 =	vmin.f32 v57, $4.900000000e+01;
	v24 =	vcvt.s32.f32 v24;
	v61 =	vld.idx.msk [tilespmem:v58+s26+$0x0], $0xffff;
	[dreg:$0x7] =	wrdreg s14;
	v17 =	vmul.f32 v9, v60  }
0x152: {  	s19 =	sor.u32 $0x310, s7;
	s10 =	sor.u32 $0x200, s5;
	v25 =	vtrunc.f32 v25;
	s22 =	sor.u32 $0x380, s20;
	v8 =	vsub.f32 v8, v12;
	v9 =	vadd.f32 $2.500000000e+01, v14;
	v62 =	vld.idx.msk [tilespmem:v13+s24+$0x0], $0xffff;
	[tilespmem:v3+s23+$0x0 ss:$0x1] =	vst.idx.msk $0xffff, v7  }
0x153: {  	s8 =	sor.u32 $0x300, s13;
	s2 =	sadd.s32 s15, s21;
	v15 =	vsub.f32 v15, v24;
	v14 =	vcvt.f32.s32 v25;
	v16 =	vld.idx.msk [tilespmem:v13+s26+$0x0], $0xffff;
	v7 =	vadd.f32 v17, v23;
	[dreg:$0x8] =	wrdreg s22  }
0x154: {  	s21 =	sor.u32 $0x100, s5;
	s1 =	sor.u32 $0x300, s7;
	s9 =	smov.u32 s13;
	v11 =	vcvt.s32.f32 v11;
	v12 =	vmax.f32 v9, $0.0e+00;
	v17 =	vmul.f32 v8, v29;
	[tilespmem:v3+s3+$0x0 ss:$0x1] =	vst.idx.msk $0xffff, v10;
	v10 =	vld.idx.msk [tilespmem:v2+s19+$0x0 ss:$0x1], $0xffff  }
0x155: {  	s25 =	sor.u32 $0x200, s13;
	s23 =	sadd.s32 $0x80, s2;
	v63 =	vcvt.s32.f32 v14;
	v8 =	vadd.s32 v14, v1;
	s22 =	sor.u32 $0x210, s13;
	v12 =	vmin.f32 v12, $4.900000000e+01;
	v13 =	vld.idx.msk [tilespmem:v20+s24+$0x0], $0xffff;
	[tilespmem:v3+s18+$0x0 ss:$0x1] =	vst.idx.msk $0xffff, v7  }
0x156: {  	s12 =	sor.u32 $0x280, s13;
	s14 =	sor.u32 $0x300, s5;
	s30 =	sor.u32 $0x180, s23;
	v7 =	vtrunc.f32 v12;
	v12 =	vsub.f32 v18, v11;
	v18 =	vadd.f32 v17, v61;
	v14 =	vld.idx.msk [tilespmem:v2+s22+$0x0 ss:$0x1], $0xffff  }
0x157: {  	s2 =	sor.u32 $0x380, s23;
	s23 =	simm.s32 $0xA0;
	s18 =	simm.s32 $0x500;
	v11 =	vcvt.f32.s32 v7;
	v7 =	vsub.f32 v52, v63;
	v17 =	vmul.f32 v15, v62;
	v15 =	vld.idx.msk [tilespmem:v20+s26+$0x0], $0xffff  }
.LBB2_4:
0x158: {  	_ =	sdelay $0x1  }
0x159: {  	s0 =	rddreg [dreg:$0x5]  }
0x15a: {  	s3 =	sand.u32 $0xC00, s18;
	v19 =	vld.idx.msk [tilespmem:v8+s24+$0x0], $0xffff;
	s4 =	sand.u32 $0xFFFFFC00, s18;
	s13 =	rddreg [dreg:$0x4]  }
0x15b: {  	s11 =	sand.u32 $0x60, s23;
	v8 =	vld.idx.msk [tilespmem:v8+s26+$0x0], $0xffff;
	s26 =	rddreg [dreg:$0x6];
	s3 =	sadd.s32 s0, s3  }
0x15c: {  	[tilespmem:v3+s29+$0x0 ss:$0x1] =	vst.idx.msk $0xffff, v18;
	s29 =	sor.u32 $0x110, s5;
	v18 =	vcvt.s32.f32 v11;
	s4 =	sadd.s32 s4, s13;
	s11 =	sor.u32 s11, s3  }
0x15d: {  	v11 =	vadd.s32 v11, v1;
	v16 =	vadd.f32 v17, v16;
	s13 =	simm.s32 $0x1380;
	v17 =	vld.idx.msk [tilespmem:v2+s29+$0x0 ss:$0x1], $0xffff;
	s20 =	sadd.s32 s4, s23;
	s15 =	sor.u32 $0x100, s11  }
0x15e: {  	v4 =	vmul.f32 v6, v4;
	v10 =	vmul.f32 v10, v0;
	v6 =	vsub.f32 v9, v18;
	v9 =	vld.idx.msk [tilespmem:v2+s11+$0x0 ss:$0x1], $0xffff;
	s3 =	sor.u32 $0x10, s11;
	s24 =	sor.u32 $0x200, s11;
	[dreg:$0xd] =	wrdreg s15  }
0x15f: {  	[tilespmem:v3+s17+$0x0 ss:$0x1] =	vst.idx.msk $0xffff, v16;
	s0 =	sor.u32 $0x380, s20;
	v12 =	vmul.f32 v12, v13;
	[dreg:$0xc] =	wrdreg s24;
	v13 =	vld.idx.msk [tilespmem:v2+s3+$0x0 ss:$0x1], $0xffff;
	v14 =	vmul.f32 v14, v0;
	s15 =	smov.u32 s7  }
0x160: {  	v4 =	vadd.f32 v4, v5;
	s7 =	sor.u32 $0x180, s20;
	v5 =	vld.idx.msk [tilespmem:v2+s21+$0x0 ss:$0x1], $0xffff;
	s20 =	smov.u32 s16;
	s24 =	rddreg [dreg:$0x9];
	v10 =	vadd.f32 $2.500000000e+01, v10  }
0x161: {  	v7 =	vmul.f32 v7, v19;
	s16 =	smov.u32 s24;
	s24 =	smov.u32 s5;
	s5 =	smov.u32 s14;
	v12 =	vadd.f32 v12, v15;
	v14 =	vadd.f32 $2.500000000e+01, v14  }
0x162: {  	s14 =	smov.u32 s8;
	s8 =	smov.u32 s2;
	s2 =	rddreg [dreg:$0x7];
	v16 =	vld.idx.msk [tilespmem:v11+s13+$0x0], $0xffff;
	[tilespmem:v3+s26+$0x0 ss:$0x1] =	vst.idx.msk $0xffff, v4;
	v15 =	vmax.f32 v10, $0.0e+00;
	v4 =	vmul.f32 v17, v0  }
0x163: {  	[dreg:$0xb] =	wrdreg s10;
	s26 =	smov.u32 s1;
	s1 =	smov.u32 s2;
	v7 =	vadd.f32 v7, v8;
	v15 =	vmin.f32 v15, $4.900000000e+01;
	v17 =	vmax.f32 v14, $0.0e+00  }
0x164: {  	[dreg:$0x9] =	wrdreg s1;
	[tilespmem:v3+s28+$0x0 ss:$0x1] =	vst.idx.msk $0xffff, v12;
	v8 =	vmul.f32 v9, v0;
	v12 =	vtrunc.f32 v15;
	v4 =	vadd.f32 $2.500000000e+01, v4  }
0x165: {  	s10 =	simm.s32 $0x0;
	s1 =	rddreg [dreg:$0x8];
	v9 =	vmin.f32 v17, $4.900000000e+01;
	v13 =	vmul.f32 v13, v0;
	v5 =	vmul.f32 v5, v0  }
0x166: {  	s2 =	smov.u32 s1;
	s1 =	rddreg [dreg:$0xa];
	v11 =	vld.idx.msk [tilespmem:v11+s10+$0x0], $0xffff;
	v12 =	vcvt.f32.s32 v12;
	v9 =	vtrunc.f32 v9  }
0x167: {  	v15 =	vld.idx.msk [tilespmem:v2+s25+$0x0 ss:$0x1], $0xffff;
	[tilespmem:v3+s1+$0x0 ss:$0x1] =	vst.idx.msk $0xffff, v7;
	v7 =	vadd.f32 $2.500000000e+01, v8;
	v8 =	vmax.f32 v4, $0.0e+00;
	v9 =	vcvt.f32.s32 v9  }
0x168: {  	v13 =	vadd.f32 $2.500000000e+01, v13;
	v5 =	vadd.f32 $2.500000000e+01, v5;
	v17 =	vadd.s32 v12, v1  }
0x169: {  	v6 =	vmul.f32 v6, v16;
	v8 =	vmin.f32 v8, $4.900000000e+01;
	v19 =	vmax.f32 v7, $0.0e+00  }
0x16a: {  	v12 =	vcvt.s32.f32 v12;
	v8 =	vtrunc.f32 v8;
	v20 =	vadd.s32 v9, v1  }
0x16b: {  	v19 =	vmin.f32 v19, $4.900000000e+01;
	v21 =	vmax.f32 v13, $0.0e+00;
	v8 =	vcvt.f32.s32 v8  }
0x16c: {  	v24 =	vmax.f32 v5, $0.0e+00;
	v19 =	vtrunc.f32 v19;
	v21 =	vmin.f32 v21, $4.900000000e+01  }
0x16d: {  	v19 =	vcvt.f32.s32 v19;
	v21 =	vtrunc.f32 v21;
	v23 =	vadd.s32 v8, v1;
	v22 =	vld.idx.msk [tilespmem:v17+s13+$0x0], $0xffff  }
0x16e: {  	v9 =	vcvt.s32.f32 v9;
	v24 =	vmin.f32 v24, $4.900000000e+01;
	v21 =	vcvt.f32.s32 v21;
	v17 =	vld.idx.msk [tilespmem:v17+s10+$0x0], $0xffff  }
0x16f: {  	v10 =	vsub.f32 v10, v12;
	v25 =	vcvt.s32.f32 v19;
	v19 =	vadd.s32 v19, v1;
	v26 =	vld.idx.msk [tilespmem:v20+s13+$0x0], $0xffff  }
0x170: {  	v18 =	vld.idx.msk [tilespmem:v2+s16+$0x0 ss:$0x1], $0xffff;
	v15 =	vmul.f32 v15, v0;
	v24 =	vtrunc.f32 v24;
	v27 =	vadd.s32 v21, v1  }
0x171: {  	v12 =	vcvt.f32.s32 v24;
	v8 =	vcvt.s32.f32 v8;
	v20 =	vld.idx.msk [tilespmem:v20+s10+$0x0], $0xffff  }
0x172: {  	v9 =	vsub.f32 v14, v9;
	v15 =	vadd.f32 $2.500000000e+01, v15;
	v49 =	vld.idx.msk [tilespmem:v23+s13+$0x0], $0xffff;
	v10 =	vmul.f32 v10, v22  }
0x173: {  	v50 =	vcvt.s32.f32 v12;
	v12 =	vadd.s32 v12, v1;
	v4 =	vsub.f32 v4, v8;
	v14 =	vld.idx.msk [tilespmem:v23+s10+$0x0], $0xffff  }
0x174: {  	v8 =	vmax.f32 v15, $0.0e+00;
	v51 =	vld.idx.msk [tilespmem:v19+s13+$0x0], $0xffff;
	v9 =	vmul.f32 v9, v26;
	v10 =	vadd.f32 v10, v17  }
0x175: {  	v6 =	vadd.f32 v6, v11;
	v7 =	vsub.f32 v7, v25;
	v8 =	vmin.f32 v8, $4.900000000e+01;
	v17 =	vld.idx.msk [tilespmem:v27+s13+$0x0], $0xffff  }
0x176: {  	s6 =	smov.u32 s9;
	s28 =	smov.u32 s30;
	v8 =	vtrunc.f32 v8;
	v16 =	vld.idx.msk [tilespmem:v27+s10+$0x0], $0xffff;
	v9 =	vadd.f32 v9, v20;
	[tilespmem:v3+s19+$0x0 ss:$0x1] =	vst.idx.msk $0xffff, v10;
	v10 =	vcvt.s32.f32 v21  }
0x177: {  	s30 =	smov.u32 s7;
	s7 =	smov.u32 s8;
	v8 =	vcvt.f32.s32 v8;
	v11 =	vld.idx.msk [tilespmem:v19+s10+$0x0], $0xffff;
	[tilespmem:v3+s20+$0x0 ss:$0x1] =	vst.idx.msk $0xffff, v6;
	s19 =	sor.u32 $0x390, s15;
	v4 =	vmul.f32 v4, v49  }
0x178: {  	s17 =	sor.u32 $0x80, s11;
	[dreg:$0x8] =	wrdreg s7;
	s7 =	smov.u32 s6;
	v6 =	vmul.f32 v18, v0;
	v20 =	vld.idx.msk [tilespmem:v2+s19+$0x0 ss:$0x1], $0xffff;
	[tilespmem:v3+s22+$0x0 ss:$0x1] =	vst.idx.msk $0xffff, v9;
	v10 =	vsub.f32 v13, v10  }
0x179: {  	s4 =	sor.u32 $0x280, s11;
	s9 =	sor.u32 $0x300, s11;
	s6 =	sor.u32 $0x290, s7;
	v4 =	vadd.f32 v4, v14;
	v13 =	vld.idx.msk [tilespmem:v12+s13+$0x0], $0xffff;
	v14 =	vcvt.s32.f32 v8;
	v8 =	vadd.s32 v8, v1  }
0x17a: {  	s1 =	smov.u32 s14;
	s14 =	smov.u32 s9;
	s9 =	smov.u32 s24;
	v7 =	vmul.f32 v7, v51;
	v9 =	vld.idx.msk [tilespmem:v2+s6+$0x0 ss:$0x1], $0xffff;
	v10 =	vmul.f32 v10, v17  }
0x17b: {  	s8 =	smov.u32 s5;
	s5 =	smov.u32 s11;
	s11 =	sor.u32 $0x190, s9;
	v5 =	vsub.f32 v5, v50;
	v6 =	vadd.f32 $2.500000000e+01, v6;
	v12 =	vld.idx.msk [tilespmem:v12+s10+$0x0], $0xffff;
	[tilespmem:v3+s29+$0x0 ss:$0x1] =	vst.idx.msk $0xffff, v4  }
0x17c: {  	[dreg:$0x7] =	wrdreg s2;
	s2 =	smov.u32 s0;
	s0 =	smov.u32 s26;
	v11 =	vadd.f32 v7, v11;
	v4 =	vadd.f32 v10, v16;
	v10 =	vld.idx.msk [tilespmem:v2+s11+$0x0 ss:$0x1], $0xffff  }
0x17d: {  	v14 =	vsub.f32 v15, v14;
	v15 =	vmul.f32 v20, v0;
	v16 =	vld.idx.msk [tilespmem:v2+s0+$0x0 ss:$0x1], $0xffff  }
0x17e: {  	v17 =	vmax.f32 v6, $0.0e+00;
	v5 =	vmul.f32 v5, v13;
	v13 =	vld.idx.msk [tilespmem:v8+s13+$0x0], $0xffff;
	[tilespmem:v3+s5+$0x0 ss:$0x1] =	vst.idx.msk $0xffff, v11  }
0x17f: {  	s29 =	sor.u32 $0x90, s5;
	v9 =	vmul.f32 v9, v0;
	[tilespmem:v3+s3+$0x0 ss:$0x1] =	vst.idx.msk $0xffff, v4;
	v15 =	vadd.f32 $2.500000000e+01, v15;
	v4 =	vmin.f32 v17, $4.900000000e+01;
	v11 =	vld.idx.msk [tilespmem:v2+s17+$0x0 ss:$0x1], $0xffff  }
0x180: {  	v17 =	vld.idx.msk [tilespmem:v2+s29+$0x0 ss:$0x1], $0xffff;
	v4 =	vtrunc.f32 v4;
	v5 =	vadd.f32 v5, v12  }
0x181: {  	v18 =	vmax.f32 v15, $0.0e+00;
	v7 =	vcvt.f32.s32 v4;
	v4 =	vld.idx.msk [tilespmem:v8+s10+$0x0], $0xffff;
	v8 =	vadd.f32 $2.500000000e+01, v9  }
0x182: {  	v9 =	vmin.f32 v18, $4.900000000e+01;
	v10 =	vmul.f32 v10, v0;
	v16 =	vmul.f32 v16, v0  }
0x183: {  	v9 =	vtrunc.f32 v9;
	v13 =	vmul.f32 v14, v13  }
0x184: {  	[tilespmem:v3+s21+$0x0 ss:$0x1] =	vst.idx.msk $0xffff, v5;
	v12 =	vmax.f32 v8, $0.0e+00;
	v63 =	vcvt.s32.f32 v7;
	v9 =	vcvt.f32.s32 v9  }
0x185: {  	v18 =	vld.idx.msk [tilespmem:v2+s28+$0x0 ss:$0x1], $0xffff;
	v10 =	vadd.f32 $2.500000000e+01, v10;
	v5 =	vmin.f32 v12, $4.900000000e+01;
	v11 =	vmul.f32 v11, v0  }
0x186: {  	v12 =	vadd.s32 v7, v1;
	v17 =	vmul.f32 v17, v0;
	v5 =	vtrunc.f32 v5  }
0x187: {  	v19 =	vadd.s32 v9, v1;
	v20 =	vmax.f32 v10, $0.0e+00;
	v5 =	vcvt.f32.s32 v5  }
0x188: {  	v13 =	vadd.f32 v13, v4;
	v11 =	vadd.f32 $2.500000000e+01, v11;
	v9 =	vcvt.s32.f32 v9  }
0x189: {  	v14 =	vadd.f32 $2.500000000e+01, v17;
	v17 =	vmin.f32 v20, $4.900000000e+01;
	v20 =	vadd.f32 $2.500000000e+01, v16  }
0x18a: {  	v16 =	vtrunc.f32 v17;
	v17 =	vadd.s32 v5, v1;
	v18 =	vmul.f32 v18, v0  }
0x18b: {  	[dreg:$0x6] =	wrdreg s16;
	s16 =	smov.u32 s12;
	v9 =	vsub.f32 v15, v9;
	v5 =	vcvt.s32.f32 v5;
	v16 =	vcvt.f32.s32 v16;
	v4 =	vld.idx.msk [tilespmem:v12+s13+$0x0], $0xffff;
	[tilespmem:v3+s25+$0x0 ss:$0x1] =	vst.idx.msk $0xffff, v13  }
0x18c: {  	s26 =	simm.s32 $0x0;
	v52 =	vmax.f32 v14, $0.0e+00;
	v53 =	vmax.f32 v20, $0.0e+00;
	v13 =	vmax.f32 v11, $0.0e+00;
	v58 =	vld.idx.msk [tilespmem:v2+s16+$0x0 ss:$0x1], $0xffff  }
0x18d: {  	v21 =	vmin.f32 v52, $4.900000000e+01;
	v8 =	vsub.f32 v8, v5;
	v5 =	vld.idx.msk [tilespmem:v12+s26+$0x0], $0xffff;
	v55 =	vadd.s32 v16, v1  }
0x18e: {  	s24 =	rddreg [dreg:$0xc];
	v13 =	vmin.f32 v13, $4.900000000e+01;
	v18 =	vadd.f32 $2.500000000e+01, v18;
	v54 =	vld.idx.msk [tilespmem:v19+s13+$0x0], $0xffff;
	v21 =	vtrunc.f32 v21  }
0x18f: {  	s10 =	smov.u32 s24;
	s24 =	simm.s32 $0x1380;
	v22 =	vmin.f32 v53, $4.900000000e+01;
	v19 =	vld.idx.msk [tilespmem:v19+s26+$0x0], $0xffff;
	v13 =	vtrunc.f32 v13;
	v21 =	vcvt.f32.s32 v21  }
0x190: {  	v22 =	vtrunc.f32 v22;
	v13 =	vcvt.f32.s32 v13;
	v15 =	vmax.f32 v18, $0.0e+00;
	v56 =	vld.idx.msk [tilespmem:v17+s24+$0x0], $0xffff  }
0x191: {  	v22 =	vcvt.f32.s32 v22;
	v17 =	vld.idx.msk [tilespmem:v17+s26+$0x0], $0xffff;
	v15 =	vmin.f32 v15, $4.900000000e+01;
	v57 =	vadd.s32 v21, v1  }
0x192: {  	v59 =	vcvt.s32.f32 v13;
	v13 =	vadd.s32 v13, v1;
	v12 =	vtrunc.f32 v15;
	v28 =	vld.idx.msk [tilespmem:v55+s24+$0x0], $0xffff  }
0x193: {  	v15 =	vcvt.s32.f32 v16;
	v9 =	vmul.f32 v9, v54  }
0x194: {  	v21 =	vcvt.s32.f32 v21;
	v12 =	vcvt.f32.s32 v12;
	v24 =	vld.idx.msk [tilespmem:v55+s26+$0x0], $0xffff  }
0x195: {  	v10 =	vsub.f32 v10, v15;
	v9 =	vadd.f32 v9, v19;
	v8 =	vmul.f32 v8, v56  }
0x196: {  	v15 =	vmul.f32 v58, v0;
	v61 =	vadd.s32 v12, v1;
	v19 =	vsub.f32 v11, v59;
	v11 =	vld.idx.msk [tilespmem:v57+s24+$0x0], $0xffff  }
0x197: {  	[tilespmem:v3+s19+$0x0 ss:$0x1] =	vst.idx.msk $0xffff, v9;
	v8 =	vadd.f32 v8, v17;
	v17 =	vld.idx.msk [tilespmem:v13+s24+$0x0], $0xffff;
	v10 =	vmul.f32 v10, v28  }
0x198: {  	p2 =	slt.u32 s23, $0x160;
	v6 =	vsub.f32 v6, v63;
	v62 =	vcvt.s32.f32 v22;
	v9 =	vadd.f32 $2.500000000e+01, v15;
	v60 =	vld.idx.msk [tilespmem:v57+s26+$0x0], $0xffff  }
.Ltmp0:
0x199: {  	v16 =	vld.idx.msk [tilespmem:v13+s26+$0x0], $0xffff;
	v13 =	vsub.f32 v14, v21;
	s19 =	sor.u32 $0x310, s7;
	[tilespmem:v3+s6+$0x0 ss:$0x1] =	vst.idx.msk $0xffff, v8;
	v14 =	vadd.f32 v10, v24;
	(pc) =	sbr.rel @p2 .LBB2_4-.Ltmp0, $4  }
0x19a: {  	s18 =	sadd.s32 $0x100, s18;
	v7 =	vsub.f32 v20, v62;
	v12 =	vcvt.s32.f32 v12;
	v15 =	vmax.f32 v9, $0.0e+00;
	v10 =	vld.idx.msk [tilespmem:v2+s19+$0x0 ss:$0x1], $0xffff  }
0x19b: {  	s23 =	sadd.s32 $0x20, s23;
	s20 =	rddreg [dreg:$0xb];
	s22 =	sor.u32 $0x210, s9;
	v15 =	vmin.f32 v15, $4.900000000e+01;
	v11 =	vmul.f32 v13, v11;
	v13 =	vld.idx.msk [tilespmem:v61+s24+$0x0], $0xffff;
	[tilespmem:v3+s11+$0x0 ss:$0x1] =	vst.idx.msk $0xffff, v14  }
0x19c: {  	s12 =	smov.u32 s31;
	s31 =	smov.u32 s4;
	s15 =	rddreg [dreg:$0xd];
	v12 =	vsub.f32 v18, v12;
	v8 =	vadd.s32 v22, v1;
	v15 =	vtrunc.f32 v15;
	v14 =	vld.idx.msk [tilespmem:v2+s22+$0x0 ss:$0x1], $0xffff  }
0x19d: {  	[dreg:$0xa] =	wrdreg s0;
	s21 =	smov.u32 s15;
	s25 =	smov.u32 s20;
	v17 =	vmul.f32 v19, v17;
	v18 =	vadd.f32 v11, v60;
	v11 =	vcvt.f32.s32 v15;
	v15 =	vld.idx.msk [tilespmem:v61+s26+$0x0], $0xffff  }
0x19e: {  	_ =	sdelay $0x3  }
0x19f: {  	s0 =	sor.u32 $0x110, s5;
	[tilespmem:v3+s29+$0x0 ss:$0x1] =	vst.idx.msk $0xffff, v18  }
0x1a0: {  	v34 =	vld.idx.msk [tilespmem:v2+s0+$0x0 ss:$0x1], $0xffff;
	_ =	sdelay $0x3  }
0x1a1: {  	v16 =	vadd.f32 v17, v16  }
0x1a2: {  	v17 =	vmul.f32 v34, v0  }
0x1a3: {  	[tilespmem:v3+s17+$0x0 ss:$0x1] =	vst.idx.msk $0xffff, v16  }
0x1a4: {  	v16 =	vld.idx.msk [tilespmem:v2+s21+$0x0 ss:$0x1], $0xffff;
	v17 =	vadd.f32 $2.500000000e+01, v17;
	_ =	sdelay $0x1  }
0x1a5: {  	v35 =	vmax.f32 v17, $0.0e+00  }
0x1a6: {  	v18 =	vmin.f32 v35, $4.900000000e+01  }
0x1a7: {  	v18 =	vtrunc.f32 v18  }
0x1a8: {  	v16 =	vmul.f32 v16, v0;
	v18 =	vcvt.f32.s32 v18;
	_ =	sdelay $0x1  }
0x1a9: {  	v16 =	vadd.f32 $2.500000000e+01, v16;
	v20 =	vadd.s32 v18, v1;
	_ =	sdelay $0x1  }
0x1aa: {  	v19 =	vmax.f32 v16, $0.0e+00  }
0x1ab: {  	v19 =	vmin.f32 v19, $4.900000000e+01  }
0x1ac: {  	v19 =	vtrunc.f32 v19  }
0x1ad: {  	v19 =	vcvt.f32.s32 v19;
	v22 =	vld.idx.msk [tilespmem:v20+s24+$0x0], $0xffff  }
0x1ae: {  	v18 =	vcvt.s32.f32 v18  }
0x1af: {  	v21 =	vadd.s32 v19, v1;
	v20 =	vld.idx.msk [tilespmem:v20+s26+$0x0], $0xffff  }
0x1b0: {  	v17 =	vsub.f32 v17, v18;
	_ =	sdelay $0x1  }
0x1b1: {  	v17 =	vmul.f32 v17, v22;
	_ =	sdelay $0x1  }
0x1b2: {  	v36 =	vld.idx.msk [tilespmem:v21+s24+$0x0], $0xffff;
	v17 =	vadd.f32 v17, v20  }
0x1b3: {  	v19 =	vcvt.s32.f32 v19  }
0x1b4: {  	s18 =	sor.u32 $0x190, s5;
	v21 =	vld.idx.msk [tilespmem:v21+s26+$0x0], $0xffff;
	[tilespmem:v3+s0+$0x0 ss:$0x1] =	vst.idx.msk $0xffff, v17  }
0x1b5: {  	v16 =	vsub.f32 v16, v19;
	v17 =	vld.idx.msk [tilespmem:v2+s18+$0x0 ss:$0x1], $0xffff;
	_ =	sdelay $0x1  }
0x1b6: {  	v16 =	vmul.f32 v16, v36;
	_ =	sdelay $0x1  }
0x1b7: {  	v16 =	vadd.f32 v16, v21  }
0x1b8: {  	v17 =	vmul.f32 v17, v0  }
0x1b9: {  	[tilespmem:v3+s21+$0x0 ss:$0x1] =	vst.idx.msk $0xffff, v16  }
0x1ba: {  	v16 =	vld.idx.msk [tilespmem:v2+s30+$0x0 ss:$0x1], $0xffff;
	v17 =	vadd.f32 $2.500000000e+01, v17;
	_ =	sdelay $0x1  }
0x1bb: {  	v37 =	vmax.f32 v17, $0.0e+00  }
0x1bc: {  	v18 =	vmin.f32 v37, $4.900000000e+01  }
0x1bd: {  	v18 =	vtrunc.f32 v18  }
0x1be: {  	v16 =	vmul.f32 v16, v0;
	v18 =	vcvt.f32.s32 v18;
	_ =	sdelay $0x1  }
0x1bf: {  	v16 =	vadd.f32 $2.500000000e+01, v16;
	v39 =	vadd.s32 v18, v1;
	_ =	sdelay $0x1  }
0x1c0: {  	v38 =	vmax.f32 v16, $0.0e+00  }
0x1c1: {  	v19 =	vmin.f32 v38, $4.900000000e+01  }
0x1c2: {  	v19 =	vtrunc.f32 v19  }
0x1c3: {  	v19 =	vcvt.f32.s32 v19;
	v41 =	vld.idx.msk [tilespmem:v39+s24+$0x0], $0xffff  }
0x1c4: {  	v12 =	vmul.f32 v12, v13;
	v18 =	vcvt.s32.f32 v18  }
0x1c5: {  	v40 =	vadd.s32 v19, v1;
	v20 =	vld.idx.msk [tilespmem:v39+s26+$0x0], $0xffff  }
0x1c6: {  	v12 =	vadd.f32 v12, v15;
	v17 =	vsub.f32 v17, v18;
	_ =	sdelay $0x1  }
0x1c7: {  	[tilespmem:v3+s28+$0x0 ss:$0x1] =	vst.idx.msk $0xffff, v12;
	v17 =	vmul.f32 v17, v41  }
0x1c8: {  	v48 =	vld.idx.msk [tilespmem:v2+s25+$0x0 ss:$0x1], $0xffff  }
0x1c9: {  	v42 =	vld.idx.msk [tilespmem:v40+s24+$0x0], $0xffff;
	v45 =	vadd.f32 v17, v20  }
0x1ca: {  	v43 =	vcvt.s32.f32 v19  }
0x1cb: {  	s20 =	sor.u32 $0x210, s5;
	v44 =	vld.idx.msk [tilespmem:v40+s26+$0x0], $0xffff;
	[tilespmem:v3+s18+$0x0 ss:$0x1] =	vst.idx.msk $0xffff, v45  }
0x1cc: {  	v13 =	vsub.f32 v16, v43;
	v15 =	vld.idx.msk [tilespmem:v2+s20+$0x0 ss:$0x1], $0xffff  }
0x1cd: {  	v47 =	vmul.f32 v14, v0  }
0x1ce: {  	v14 =	vmul.f32 v48, v0;
	v46 =	vmul.f32 v13, v42  }
0x1cf: {  	v13 =	vadd.f32 $2.500000000e+01, v47  }
0x1d0: {  	v14 =	vadd.f32 $2.500000000e+01, v14;
	v12 =	vadd.f32 v46, v44  }
0x1d1: {  	v49 =	vmax.f32 v13, $0.0e+00;
	v15 =	vmul.f32 v15, v0  }
0x1d2: {  	v52 =	vmax.f32 v14, $0.0e+00;
	[tilespmem:v3+s30+$0x0 ss:$0x1] =	vst.idx.msk $0xffff, v12;
	v12 =	vmin.f32 v49, $4.900000000e+01  }
0x1d3: {  	v18 =	vmin.f32 v52, $4.900000000e+01;
	v50 =	vld.idx.msk [tilespmem:v2+s10+$0x0 ss:$0x1], $0xffff;
	v12 =	vtrunc.f32 v12;
	v15 =	vadd.f32 $2.500000000e+01, v15  }
0x1d4: {  	v18 =	vtrunc.f32 v18;
	v12 =	vcvt.f32.s32 v12  }
0x1d5: {  	v18 =	vcvt.f32.s32 v18;
	v53 =	vmax.f32 v15, $0.0e+00  }
0x1d6: {  	v51 =	vadd.s32 v12, v1;
	v19 =	vmin.f32 v53, $4.900000000e+01  }
0x1d7: {  	v56 =	vadd.s32 v18, v1;
	v19 =	vtrunc.f32 v19  }
0x1d8: {  	v16 =	vmul.f32 v50, v0;
	v19 =	vcvt.f32.s32 v19;
	_ =	sdelay $0x1  }
0x1d9: {  	v16 =	vadd.f32 $2.500000000e+01, v16;
	v23 =	vadd.s32 v19, v1  }
0x1da: {  	v55 =	vld.idx.msk [tilespmem:v51+s24+$0x0], $0xffff  }
0x1db: {  	v58 =	vld.idx.msk [tilespmem:v56+s24+$0x0], $0xffff;
	v12 =	vcvt.s32.f32 v12;
	v54 =	vmax.f32 v16, $0.0e+00  }
0x1dc: {  	v17 =	vld.idx.msk [tilespmem:v51+s26+$0x0], $0xffff;
	v20 =	vmin.f32 v54, $4.900000000e+01  }
0x1dd: {  	v18 =	vcvt.s32.f32 v18;
	v59 =	vld.idx.msk [tilespmem:v56+s26+$0x0], $0xffff;
	v12 =	vsub.f32 v13, v12;
	v20 =	vtrunc.f32 v20  }
0x1de: {  	v20 =	vcvt.f32.s32 v20;
	v24 =	vld.idx.msk [tilespmem:v23+s24+$0x0], $0xffff  }
0x1df: {  	v14 =	vsub.f32 v14, v18;
	v19 =	vcvt.s32.f32 v19;
	v12 =	vmul.f32 v12, v55  }
0x1e0: {  	v57 =	vadd.s32 v20, v1;
	v60 =	vld.idx.msk [tilespmem:v23+s26+$0x0], $0xffff  }
0x1e1: {  	v14 =	vmul.f32 v14, v58;
	v61 =	vsub.f32 v15, v19;
	v12 =	vadd.f32 v12, v17;
	_ =	sdelay $0x1  }
0x1e2: {  	s3 =	sor.u32 $0x290, s9;
	v14 =	vadd.f32 v14, v59;
	[tilespmem:v3+s22+$0x0 ss:$0x1] =	vst.idx.msk $0xffff, v12;
	v12 =	vmul.f32 v61, v24  }
0x1e3: {  	v63 =	vld.idx.msk [tilespmem:v2+s3+$0x0 ss:$0x1], $0xffff  }
0x1e4: {  	[tilespmem:v3+s25+$0x0 ss:$0x1] =	vst.idx.msk $0xffff, v14;
	v62 =	vld.idx.msk [tilespmem:v57+s24+$0x0], $0xffff;
	v12 =	vadd.f32 v12, v60  }
0x1e5: {  	v26 =	vld.idx.msk [tilespmem:v2+s12+$0x0 ss:$0x1], $0xffff;
	v20 =	vcvt.s32.f32 v20  }
0x1e6: {  	s4 =	sor.u32 $0x290, s5;
	v13 =	vld.idx.msk [tilespmem:v57+s26+$0x0], $0xffff;
	[tilespmem:v3+s20+$0x0 ss:$0x1] =	vst.idx.msk $0xffff, v12  }
0x1e7: {  	v16 =	vsub.f32 v16, v20;
	v12 =	vld.idx.msk [tilespmem:v2+s4+$0x0 ss:$0x1], $0xffff  }
0x1e8: {  	v25 =	vmul.f32 v63, v0  }
0x1e9: {  	v23 =	vmul.f32 v16, v62  }
0x1ea: {  	v27 =	vadd.f32 $2.500000000e+01, v25  }
0x1eb: {  	v13 =	vadd.f32 v23, v13  }
0x1ec: {  	v17 =	vmul.f32 v26, v0;
	v28 =	vmax.f32 v27, $0.0e+00;
	v12 =	vmul.f32 v12, v0  }
0x1ed: {  	[tilespmem:v3+s10+$0x0 ss:$0x1] =	vst.idx.msk $0xffff, v13;
	v13 =	vmin.f32 v28, $4.900000000e+01  }
0x1ee: {  	v17 =	vadd.f32 $2.500000000e+01, v17;
	v29 =	vld.idx.msk [tilespmem:v2+s31+$0x0 ss:$0x1], $0xffff;
	v13 =	vtrunc.f32 v13;
	v32 =	vadd.f32 $2.500000000e+01, v12  }
0x1ef: {  	v24 =	vadd.s32 v11, v1;
	v13 =	vcvt.f32.s32 v13  }
0x1f0: {  	v35 =	vmax.f32 v17, $0.0e+00;
	v37 =	vmax.f32 v32, $0.0e+00  }
0x1f1: {  	v36 =	vmin.f32 v35, $4.900000000e+01;
	v34 =	vadd.s32 v13, v1;
	v19 =	vmin.f32 v37, $4.900000000e+01  }
0x1f2: {  	v18 =	vtrunc.f32 v36;
	v19 =	vtrunc.f32 v19  }
0x1f3: {  	v16 =	vmul.f32 v29, v0;
	v19 =	vcvt.f32.s32 v19  }
0x1f4: {  	v18 =	vcvt.f32.s32 v18;
	v31 =	vld.idx.msk [tilespmem:v24+s24+$0x0], $0xffff  }
0x1f5: {  	v30 =	vcvt.s32.f32 v11;
	v33 =	vld.idx.msk [tilespmem:v24+s26+$0x0], $0xffff;
	v16 =	vadd.f32 $2.500000000e+01, v16;
	v41 =	vadd.s32 v19, v1  }
0x1f6: {  	v40 =	vadd.s32 v18, v1;
	v39 =	vld.idx.msk [tilespmem:v34+s24+$0x0], $0xffff  }
0x1f7: {  	v9 =	vsub.f32 v9, v30;
	v13 =	vcvt.s32.f32 v13;
	v38 =	vmax.f32 v16, $0.0e+00  }
0x1f8: {  	v15 =	vld.idx.msk [tilespmem:v34+s26+$0x0], $0xffff;
	v20 =	vmin.f32 v38, $4.900000000e+01  }
0x1f9: {  	v9 =	vmul.f32 v9, v31;
	v43 =	vsub.f32 v27, v13;
	v20 =	vtrunc.f32 v20  }
0x1fa: {  	v42 =	vmul.f32 v10, v0;
	v20 =	vcvt.f32.s32 v20;
	v47 =	vld.idx.msk [tilespmem:v41+s24+$0x0], $0xffff  }
0x1fb: {  	v46 =	vld.idx.msk [tilespmem:v40+s24+$0x0], $0xffff;
	v9 =	vadd.f32 v9, v33;
	v19 =	vcvt.s32.f32 v19;
	v10 =	vmul.f32 v43, v39  }
0x1fc: {  	v18 =	vcvt.s32.f32 v18;
	v45 =	vadd.s32 v20, v1;
	v51 =	vld.idx.msk [tilespmem:v41+s26+$0x0], $0xffff  }
0x1fd: {  	v49 =	vld.idx.msk [tilespmem:v40+s26+$0x0], $0xffff;
	[tilespmem:v3+s16+$0x0 ss:$0x1] =	vst.idx.msk $0xffff, v9;
	v52 =	vsub.f32 v32, v19;
	v10 =	vadd.f32 v10, v15  }
0x1fe: {  	v17 =	vsub.f32 v17, v18;
	v44 =	vld.idx.msk [tilespmem:v2+s1+$0x0 ss:$0x1], $0xffff  }
0x1ff: {  	s21 =	sor.u32 $0x310, s9;
	[tilespmem:v3+s3+$0x0 ss:$0x1] =	vst.idx.msk $0xffff, v10;
	v10 =	vmul.f32 v52, v47  }
0x200: {  	v12 =	vmul.f32 v17, v46;
	v54 =	vld.idx.msk [tilespmem:v2+s21+$0x0 ss:$0x1], $0xffff  }
0x201: {  	v9 =	vadd.f32 $2.500000000e+01, v42;
	v53 =	vld.idx.msk [tilespmem:v45+s24+$0x0], $0xffff;
	v10 =	vadd.f32 v10, v51  }
0x202: {  	v12 =	vadd.f32 v12, v49;
	v55 =	vcvt.s32.f32 v20  }
0x203: {  	s22 =	sor.u32 $0x310, s5;
	v48 =	vmax.f32 v9, $0.0e+00;
	v61 =	vmul.f32 v44, v0;
	v14 =	vld.idx.msk [tilespmem:v45+s26+$0x0], $0xffff;
	[tilespmem:v3+s4+$0x0 ss:$0x1] =	vst.idx.msk $0xffff, v10  }
0x204: {  	v50 =	vmin.f32 v48, $4.900000000e+01;
	v58 =	vsub.f32 v16, v55;
	v23 =	vld.idx.msk [tilespmem:v2+s22+$0x0 ss:$0x1], $0xffff  }
0x205: {  	[tilespmem:v3+s12+$0x0 ss:$0x1] =	vst.idx.msk $0xffff, v12;
	v21 =	vtrunc.f32 v50;
	v63 =	vadd.f32 $2.500000000e+01, v61;
	v22 =	vmul.f32 v54, v0  }
0x206: {  	v62 =	vld.idx.msk [tilespmem:v2+s8+$0x0 ss:$0x1], $0xffff;
	v56 =	vcvt.f32.s32 v21;
	v11 =	vmul.f32 v58, v53  }
0x207: {  	v25 =	vmax.f32 v63, $0.0e+00;
	v12 =	vadd.f32 $2.500000000e+01, v22  }
0x208: {  	v59 =	vadd.s32 v56, v1;
	v11 =	vadd.f32 v11, v14;
	v14 =	vmin.f32 v25, $4.900000000e+01  }
0x209: {  	v14 =	vtrunc.f32 v14;
	v28 =	vmax.f32 v12, $0.0e+00;
	v15 =	vmul.f32 v23, v0  }
0x20a: {  	v57 =	vld.idx.msk [tilespmem:v8+s24+$0x0], $0xffff;
	v26 =	vcvt.s32.f32 v56;
	[tilespmem:v3+s31+$0x0 ss:$0x1] =	vst.idx.msk $0xffff, v11;
	v14 =	vcvt.f32.s32 v14;
	v18 =	vmin.f32 v28, $4.900000000e+01  }
0x20b: {  	v13 =	vmul.f32 v62, v0;
	v27 =	vld.idx.msk [tilespmem:v2+s14+$0x0 ss:$0x1], $0xffff;
	v29 =	vtrunc.f32 v18;
	v15 =	vadd.f32 $2.500000000e+01, v15  }
0x20c: {  	v60 =	vld.idx.msk [tilespmem:v8+s26+$0x0], $0xffff;
	v8 =	vsub.f32 v9, v26;
	v30 =	vadd.s32 v14, v1;
	v9 =	vcvt.f32.s32 v29  }
0x20d: {  	v13 =	vadd.f32 $2.500000000e+01, v13;
	v33 =	vmax.f32 v15, $0.0e+00  }
0x20e: {  	v24 =	vld.idx.msk [tilespmem:v59+s24+$0x0], $0xffff;
	v32 =	vadd.s32 v9, v1;
	v20 =	vmin.f32 v33, $4.900000000e+01  }
0x20f: {  	v7 =	vmul.f32 v7, v57;
	v31 =	vmax.f32 v13, $0.0e+00;
	v20 =	vtrunc.f32 v20  }
0x210: {  	v16 =	vld.idx.msk [tilespmem:v59+s26+$0x0], $0xffff;
	v11 =	vmin.f32 v31, $4.900000000e+01;
	v17 =	vmul.f32 v27, v0;
	v36 =	vcvt.f32.s32 v20  }
0x211: {  	v7 =	vadd.f32 v7, v60;
	v11 =	vtrunc.f32 v11;
	v35 =	vld.idx.msk [tilespmem:v30+s24+$0x0], $0xffff  }
0x212: {  	v14 =	vcvt.s32.f32 v14;
	v18 =	vld.idx.msk [tilespmem:v30+s26+$0x0], $0xffff;
	v17 =	vadd.f32 $2.500000000e+01, v17;
	v40 =	vadd.s32 v36, v1  }
0x213: {  	v8 =	vmul.f32 v8, v24;
	s0 =	rddreg [dreg:$0xa];
	v11 =	vcvt.f32.s32 v11;
	v42 =	vld.idx.msk [tilespmem:v32+s24+$0x0], $0xffff  }
0x214: {  	[tilespmem:v3+s0+$0x0 ss:$0x1] =	vst.idx.msk $0xffff, v7;
	v41 =	vsub.f32 v63, v14;
	v9 =	vcvt.s32.f32 v9;
	v37 =	vmax.f32 v17, $0.0e+00  }
0x215: {  	v34 =	vadd.f32 v8, v16;
	s6 =	rddreg [dreg:$0x9];
	v39 =	vadd.s32 v11, v1;
	v45 =	vld.idx.msk [tilespmem:v32+s26+$0x0], $0xffff;
	v20 =	vmin.f32 v37, $4.900000000e+01  }
0x216: {  	v38 =	vld.idx.msk [tilespmem:v2+s6+$0x0 ss:$0x1], $0xffff;
	v9 =	vsub.f32 v12, v9;
	v20 =	vtrunc.f32 v20;
	v7 =	vmul.f32 v41, v35  }
0x217: {  	s23 =	sor.u32 $0x390, s7;
	[tilespmem:v3+s19+$0x0 ss:$0x1] =	vst.idx.msk $0xffff, v34;
	v43 =	vcvt.f32.s32 v20;
	v48 =	vld.idx.msk [tilespmem:v40+s24+$0x0], $0xffff  }
0x218: {  	v44 =	vld.idx.msk [tilespmem:v2+s23+$0x0 ss:$0x1], $0xffff;
	v16 =	vcvt.s32.f32 v36;
	v7 =	vadd.f32 v7, v18;
	v9 =	vmul.f32 v9, v42  }
0x219: {  	v46 =	vadd.s32 v43, v1;
	v51 =	vld.idx.msk [tilespmem:v40+s26+$0x0], $0xffff  }
0x21a: {  	v47 =	vld.idx.msk [tilespmem:v39+s24+$0x0], $0xffff;
	v53 =	vsub.f32 v15, v16;
	[tilespmem:v3+s1+$0x0 ss:$0x1] =	vst.idx.msk $0xffff, v7;
	v8 =	vadd.f32 v9, v45  }
0x21b: {  	v49 =	vld.idx.msk [tilespmem:v39+s26+$0x0], $0xffff;
	s25 =	rddreg [dreg:$0x7]  }
0x21c: {  	s28 =	sor.u32 $0x390, s9;
	v55 =	vld.idx.msk [tilespmem:v2+s25+$0x0 ss:$0x1], $0xffff;
	[tilespmem:v3+s21+$0x0 ss:$0x1] =	vst.idx.msk $0xffff, v8;
	v9 =	vmul.f32 v53, v48  }
0x21d: {  	v11 =	vcvt.s32.f32 v11;
	v52 =	vmul.f32 v38, v0;
	v62 =	vld.idx.msk [tilespmem:v2+s28+$0x0 ss:$0x1], $0xffff  }
0x21e: {  	v59 =	vmul.f32 v44, v0;
	v54 =	vld.idx.msk [tilespmem:v46+s24+$0x0], $0xffff;
	v9 =	vadd.f32 v9, v51  }
0x21f: {  	v50 =	vsub.f32 v13, v11;
	v57 =	vadd.f32 $2.500000000e+01, v52;
	v56 =	vcvt.s32.f32 v43  }
0x220: {  	s29 =	sor.u32 $0x390, s5;
	v63 =	vadd.f32 $2.500000000e+01, v59;
	v58 =	vld.idx.msk [tilespmem:v46+s26+$0x0], $0xffff;
	[tilespmem:v3+s22+$0x0 ss:$0x1] =	vst.idx.msk $0xffff, v9  }
0x221: {  	v61 =	vmax.f32 v57, $0.0e+00;
	v7 =	vmul.f32 v50, v47;
	v60 =	vsub.f32 v17, v56;
	v30 =	vld.idx.msk [tilespmem:v2+s29+$0x0 ss:$0x1], $0xffff  }
0x222: {  	v27 =	vmax.f32 v63, $0.0e+00;
	v25 =	vmin.f32 v61, $4.900000000e+01;
	v28 =	vmul.f32 v55, v0  }
0x223: {  	v7 =	vadd.f32 v7, v49;
	v33 =	vmul.f32 v62, v0;
	v10 =	vmul.f32 v60, v54  }
0x224: {  	v11 =	vmin.f32 v27, $4.900000000e+01;
	v26 =	vtrunc.f32 v25;
	v32 =	vadd.f32 $2.500000000e+01, v28  }
0x225: {  	v31 =	vtrunc.f32 v11;
	[tilespmem:v3+s8+$0x0 ss:$0x1] =	vst.idx.msk $0xffff, v7;
	v12 =	vadd.f32 $2.500000000e+01, v33;
	v10 =	vadd.f32 v10, v58  }
0x226: {  	v9 =	vcvt.f32.s32 v26;
	v36 =	vmax.f32 v32, $0.0e+00;
	s4 =	rddreg [dreg:$0x8];
	v13 =	vmul.f32 v30, v0  }
0x227: {  	v17 =	vmin.f32 v36, $4.900000000e+01;
	v38 =	vmax.f32 v12, $0.0e+00;
	v29 =	vld.idx.msk [tilespmem:v2+s4+$0x0 ss:$0x1], $0xffff;
	[tilespmem:v3+s14+$0x0 ss:$0x1] =	vst.idx.msk $0xffff, v10;
	v10 =	vcvt.f32.s32 v31  }
0x228: {  	v35 =	vadd.s32 v9, v1;
	v17 =	vtrunc.f32 v17;
	v34 =	vld.idx.msk [tilespmem:v2+s2+$0x0 ss:$0x1], $0xffff;
	v13 =	vadd.f32 $2.500000000e+01, v13  }
0x229: {  	v19 =	vmin.f32 v38, $4.900000000e+01;
	v17 =	vcvt.f32.s32 v17  }
0x22a: {  	v19 =	vtrunc.f32 v19;
	v37 =	vadd.s32 v10, v1;
	v41 =	vmax.f32 v13, $0.0e+00  }
0x22b: {  	v4 =	vmul.f32 v6, v4;
	v19 =	vcvt.f32.s32 v19;
	v22 =	vmin.f32 v41, $4.900000000e+01  }
0x22c: {  	v39 =	vadd.s32 v17, v1;
	v14 =	vmul.f32 v29, v0;
	v22 =	vtrunc.f32 v22  }
0x22d: {  	v4 =	vadd.f32 v4, v5;
	v42 =	vld.idx.msk [tilespmem:v35+s24+$0x0], $0xffff;
	v15 =	vmul.f32 v34, v0;
	v22 =	vcvt.f32.s32 v22  }
0x22e: {  	v5 =	vcvt.s32.f32 v9;
	v43 =	vadd.s32 v19, v1;
	v16 =	vld.idx.msk [tilespmem:v35+s26+$0x0], $0xffff;
	v14 =	vadd.f32 $2.500000000e+01, v14  }
0x22f: {  	s31 =	rddreg [dreg:$0x6];
	v25 =	vld.idx.msk [tilespmem:v37+s24+$0x0], $0xffff;
	v15 =	vadd.f32 $2.500000000e+01, v15;
	v28 =	vadd.s32 v22, v1  }
0x230: {  	v10 =	vcvt.s32.f32 v10;
	[tilespmem:v3+s31+$0x0 ss:$0x1] =	vst.idx.msk $0xffff, v4;
	v4 =	vsub.f32 v57, v5;
	v18 =	vld.idx.msk [tilespmem:v37+s26+$0x0], $0xffff;
	v40 =	vmax.f32 v14, $0.0e+00  }
0x231: {  	v5 =	vcvt.s32.f32 v17;
	v44 =	vld.idx.msk [tilespmem:v39+s24+$0x0], $0xffff;
	v21 =	vmin.f32 v40, $4.900000000e+01;
	v26 =	vmax.f32 v15, $0.0e+00  }
0x232: {  	v48 =	vcvt.s32.f32 v19;
	v47 =	vld.idx.msk [tilespmem:v39+s26+$0x0], $0xffff;
	v21 =	vtrunc.f32 v21;
	v26 =	vmin.f32 v26, $4.900000000e+01  }
0x233: {  	v7 =	vsub.f32 v63, v10;
	v45 =	vld.idx.msk [tilespmem:v43+s24+$0x0], $0xffff;
	v21 =	vcvt.f32.s32 v21;
	v26 =	vtrunc.f32 v26  }
0x234: {  	v5 =	vsub.f32 v32, v5;
	v4 =	vmul.f32 v4, v42;
	v26 =	vcvt.f32.s32 v26;
	v50 =	vld.idx.msk [tilespmem:v28+s24+$0x0], $0xffff  }
0x235: {  	v24 =	vld.idx.msk [tilespmem:v43+s26+$0x0], $0xffff;
	v7 =	vmul.f32 v7, v25;
	v52 =	vcvt.s32.f32 v22;
	v27 =	vadd.s32 v21, v1  }
0x236: {  	v51 =	vsub.f32 v12, v48;
	v4 =	vadd.f32 v4, v16;
	v46 =	vadd.s32 v26, v1;
	v53 =	vld.idx.msk [tilespmem:v28+s26+$0x0], $0xffff  }
0x237: {  	v5 =	vmul.f32 v5, v44;
	v7 =	vadd.f32 v7, v18;
	v56 =	vsub.f32 v13, v52  }
0x238: {  	v6 =	vmul.f32 v51, v45;
	[tilespmem:v3+s6+$0x0 ss:$0x1] =	vst.idx.msk $0xffff, v4  }
0x239: {  	v4 =	vadd.f32 v5, v47;
	[tilespmem:v3+s23+$0x0 ss:$0x1] =	vst.idx.msk $0xffff, v7;
	v7 =	vmul.f32 v56, v50  }
0x23a: {  	v6 =	vadd.f32 v6, v24;
	v49 =	vld.idx.msk [tilespmem:v27+s24+$0x0], $0xffff  }
0x23b: {  	v54 =	vcvt.s32.f32 v21;
	[tilespmem:v3+s25+$0x0 ss:$0x1] =	vst.idx.msk $0xffff, v4;
	v55 =	vld.idx.msk [tilespmem:v46+s24+$0x0], $0xffff;
	v62 =	vadd.f32 v7, v53  }
0x23c: {  	v58 =	vcvt.s32.f32 v26;
	[tilespmem:v3+s28+$0x0 ss:$0x1] =	vst.idx.msk $0xffff, v6;
	v57 =	vld.idx.msk [tilespmem:v27+s26+$0x0], $0xffff  }
0x23d: {  	v59 =	vsub.f32 v14, v54;
	v60 =	vld.idx.msk [tilespmem:v46+s26+$0x0], $0xffff;
	[tilespmem:v3+s29+$0x0 ss:$0x1] =	vst.idx.msk $0xffff, v62  }
0x23e: {  	v61 =	vsub.f32 v15, v58;
	s1 =	sld [smem:$0x7FD]  }
0x23f: {  	v5 =	vmul.f32 v59, v49  }
0x240: {  	v63 =	vmul.f32 v61, v55  }
0x241: {  	v4 =	vadd.f32 v5, v57;
	s1 =	sadd.s32 $0x1, s1  }
0x242: {  	v5 =	vadd.f32 v63, v60;
	p2 =	sne.s32 s1, $0x8  }
.Ltmp1:
0x243: {  	s30 =	smov.u32 s2;
	[tilespmem:v3+s4+$0x0 ss:$0x1] =	vst.idx.msk $0xffff, v4;
	(pc) =	sbr.rel @p2 .LBB2_3-.Ltmp1, $4  }
0x244: {  	[tilespmem:v3+s30+$0x0 ss:$0x1] =	vst.idx.msk $0xffff, v5  }
0x245: {  	s0 =	rddreg [dreg:$0x4]  }
0x246: {  	s0 =	sadd.s32 $0xC00, s0  }
0x247: {  	[dreg:$0x4] =	wrdreg s0  }
0x248: {  	s5 =	rddreg [dreg:$0x1a]  }
0x249: {  	p2 =	seq.s32 s5, $0x47  }
0x24a: {  	s0 =	rddreg [dreg:$0x1d];
	p1 =	por p2, p1  }
0x24b: {  	s1 =	rddreg [dreg:$0x1c];
	_ =	strace $0x9000004B;
	s0 =	smul.u32 @p1 $0x24000, s0  }
0x24c: {  	s1 =	smul.u32 @p1 $0x6000, s1;
	_ =	strace @p1 $0x8000004C  }
0x24d: {  	s3 =	rddreg [dreg:$0x2]  }
0x24e: {  	s2 =	simm.s32 $0x1;
	s4 =	rddreg [dreg:$0x1f];
	s0 =	sadd.s32 @p1 s0, s1  }
0x24f: {  	s2 =	simm.s32 @!p0 $0x0;
	s1 =	rddreg [dreg:$0x1e];
	s0 =	sshrl.u32 @p1 s0, $0x3  }
0x250: {  	s1 =	sadd.s32 @p1 $0x3, s1;
	s0 =	sadd.s32 @p1 s3, s0;
	s3 =	simm.s32 @p1 $0x0  }
0x251: {  	[hbm4b:s0+s3] =	stream.linear.scatter @p1 [tilespmem:s4], [sflag:s1], $0x6000, $0x200038;
	[tilespmem:$0x1A780] =	vst v63  }
0x252: {  	p0 =	seq.s32 s5, $0x0;
	s31 =	rddreg [dreg:$0x19];
	_ =	strace @p1 $0x9000004C  }
0x253: {  	s4 =	sadd.s32 s2, s31;
	s0 =	simm.s32 $0x1;
	s3 =	rddreg [dreg:$0x15]  }
0x254: {  	s2 =	simm.s32 $0x1;
	s0 =	simm.s32 @!p1 $0x0;
	s1 =	sand.u32 @!p0 $0x1, s3  }
0x255: {  	p1 =	sne.s32 s5, $0x0;
	_ =	strace @!p0 $0x8000004D;
	s1 =	sadd.s32 @!p0 $0x3, s1  }
0x256: {  	s5 =	sadd.s32 $0x1, s5;
	s6 =	rddreg [dreg:$0x17];
	_ =	swait.ge @!p0 [sflag:s1], $0x6000  }
0x257: {  	s2 =	simm.s32 @!p1 $0x0;
	p1 =	sne.s32 s5, $0x48;
	[sflag:s1] =	ssyncset.done @!p0 $0x0  }
.Ltmp2:
0x258: {  	[sflag:s1] =	ssyncadd.s32 @!p0 $0xFFFFA000;
	(pc) =	sbr.rel @p1 .LBB2_2-.Ltmp2, $4  }
0x259: {  	_ =	strace @!p0 $0x9000004D  }
0x25a: {  	s7 =	rddreg [dreg:$0x18]  }
0x25b: {  	s3 =	sadd.s32 s2, s3;
	s2 =	rddreg [dreg:$0x1b]  }
0x25c: {  	s6 =	sadd.s32 s0, s6;
	s1 =	rddreg [dreg:$0x16];
	s7 =	sadd.s32 s0, s7  }
0x25d: {  	_ =	strace $0x8000004E;
	s0 =	simm.s32 $0x4  }
0x25e: {  	_ =	swait.ge [sflag:s0], $0x6000  }
0x25f: {  	s1 =	rddreg [dreg:$0x14]  }
0x260: {  	s31 =	rddreg [dreg:$0x13];
	s1 =	sadd.s32 $0x1, s1  }
0x261: {  	p0 =	sne.s32 s1, s31  }
.Ltmp3:
0x262: {  	_ = 	snop;
	(pc) =	sbr.rel @p0 .LBB2_1-.Ltmp3, $4  }
0x263: {  	_ = 	snop  }
0x264: {  	[sflag:s0] =	ssyncset.done $0x0  }
0x265: {  	[sflag:s0] =	ssyncadd.s32 $0xFFFFA000  }
0x266: {  	_ =	strace $0x9000004E  }
0x267: {  	_ =	sfence.sel $0x180000  }
0x268: {  	[bflag:$0x0] =	sbarrier.arrive $0xFFFF  }
0x269: {  	_ =	strace $0x90000047  }
0x26a: {  	s0 =	stileid.u32;
	[bflag:$0x2] =	sbarrier.arrive $0xFFFF  }
0x26b: {  	p0 =	sne.s32 s0, $0x0;
	s0 =	rddreg [dreg:$0x3]  }
0x26c: {  	s0 =	sadd.s32 @!p0 $0x100000, s0  }
0x26d: {  	[sflag:s0] =	ssyncadd.tile.s32 @!p0 $0x1;
	_ =	shalt  }
.Lfunc_end2:
_tile_overlayer_lowered:
.L_overlay_start_2:
0x26e: {  	(tag) =	ssettag $0x2  }
0x26f: {  	s0 =	rddreg [dreg:$0x0];
	s2 =	stileid.u32  }
0x270: {  	s1 =	rddreg [dreg:$0x1];
	p0 =	sne.s32 s2, $0x0  }
0x271: {  	s3 =	rddreg [dreg:$0x2];
	[bflag:$0x3] =	sbarrier.arrive $0xFFFF;
	s2 =	simm.s32 @!p0 $0x1C01  }
0x272: {  	[timem:s3], [sflag:s2] =	dma.local @!p0 [hbm:s0], s1  }
0x273: {  	s0 =	simm.s32 @!p0 $0x1  }
0x274: {  	_ =	swait.ge @!p0 [sflag:s0], s1  }
0x275: {  	s1 =	ssub.s32 @!p0 $0x0, s1;
	[sflag:s0] =	ssyncset.done @!p0 $0x0  }
0x276: {  	[sflag:s0] =	ssyncadd.s32 @!p0 s1  }
0x277: {  	[bflag:$0x3] =	sbarrier.arrive $0xFFFF  }
0x278: {  	_ =	shalt  }

</sc_bundles>
